<compile_context>
chip_gen: v7x
topology: tpu7x:2x2x1
jax: 0.10.2.dev20260603
libtpu: 0.0.44.dev20260713+nightly
codegen_flags: <defaults>
</compile_context>

<pallas_src>
import functools

import jax
import jax.numpy as jnp
from jax import lax
from jax.experimental import pallas as pl
from jax.experimental.pallas import tpu as pltpu
from jax.experimental.pallas import tpu_sc as plsc

N = 10000
E = 320000
F = 128
NC = 2
NS = 16
NW = NC * NS
NP = 10240
EPW = E // NW
CH = 80
NCHUNK = EPW // CH
NPAIR = (NCHUNK - 1) // 2
RPT = NP // NS


def _sc_body(x_hbm, src_hbm, dst_hbm, sum0, sum1, cnt0, cnt1,
             src_a, dst_a, rows_a, src_b, dst_b, rows_b,
             ones_v, zc_v, acc_sh, cnt_sh,
             sem_ia, sem_ib, sem_ga, sem_gb):
    c = lax.axis_index("c")
    s = lax.axis_index("s")
    w = s * NC + c
    ebase = w * EPW

    bufs = (
        (src_a, dst_a, rows_a, sem_ia, sem_ga),
        (src_b, dst_b, rows_b, sem_ib, sem_gb),
    )

    def issue_idx(chunk, b):
        src_v, dst_v, _, sem_i, _ = bufs[b]
        off = jnp.minimum(ebase + chunk * CH, E - CH)
        pltpu.async_copy(src_hbm.at[pl.ds(off, CH)], src_v, sem_i)
        pltpu.async_copy(dst_hbm.at[pl.ds(off, CH)], dst_v, sem_i)

    def wait_idx(b):
        src_v, dst_v, _, sem_i, _ = bufs[b]
        pltpu.make_async_copy(src_hbm.at[pl.ds(0, CH)], src_v, sem_i).wait()
        pltpu.make_async_copy(dst_hbm.at[pl.ds(0, CH)], dst_v, sem_i).wait()

    def issue_gather(b):
        src_v, _, rows_v, _, sem_g = bufs[b]
        pltpu.async_copy(x_hbm.at[src_v], rows_v, sem_g)

    def wait_gather(b):
        src_v, _, rows_v, _, sem_g = bufs[b]
        pltpu.make_async_copy(x_hbm.at[src_v], rows_v, sem_g).wait()

    def scatter(b):
        _, dst_v, rows_v, _, _ = bufs[b]
        pltpu.sync_copy(rows_v, acc_sh.at[dst_v], add=True)
        pltpu.sync_copy(ones_v.at[pl.ds(0, CH)], cnt_sh.at[dst_v], add=True)

    issue_idx(0, 0)
    issue_idx(1, 1)

    zero16 = jnp.zeros((16,), jnp.float32)
    one16 = jnp.ones((16,), jnp.float32)

    def zero_row(r, _):
        for j in range(F // 16):
            rows_a[r, pl.ds(j * 16, 16)] = zero16
        return 0
    lax.fori_loop(0, CH, zero_row, 0)

    def fill_ones(i, _):
        ones_v[pl.ds(i * 16, 16)] = one16
        zc_v[pl.ds(i * 16, 16)] = zero16
        return 0
    lax.fori_loop(0, RPT // 16, fill_ones, 0)

    r0 = s * RPT
    for off in range(0, RPT, CH):
        pltpu.async_copy(rows_a, acc_sh.at[pl.ds(r0 + off, CH)], sem_ga)
    pltpu.async_copy(zc_v, cnt_sh.at[pl.ds(r0, RPT)], sem_ga)
    for off in range(0, RPT, CH):
        pltpu.make_async_copy(rows_a, acc_sh.at[pl.ds(r0 + off, CH)],
                              sem_ga).wait()
    pltpu.make_async_copy(zc_v, cnt_sh.at[pl.ds(r0, RPT)], sem_ga).wait()
    plsc.subcore_barrier()

    wait_idx(0)
    issue_gather(0)

    def pair(it, _):
        i = 2 * it
        wait_idx(1)
        issue_gather(1)
        wait_gather(0)
        scatter(0)
        issue_idx(i + 2, 0)
        wait_idx(0)
        issue_gather(0)
        wait_gather(1)
        scatter(1)
        issue_idx(i + 3, 1)
        return 0
    lax.fori_loop(0, NPAIR, pair, 0)

    wait_gather(0)
    scatter(0)
    wait_idx(1)

    plsc.subcore_barrier()

    @pl.when(c == 0)
    def _():
        pltpu.async_copy(acc_sh.at[pl.ds(r0, RPT)], sum0.at[pl.ds(r0, RPT)],
                         sem_ga)
        pltpu.async_copy(cnt_sh.at[pl.ds(r0, RPT)], cnt0.at[pl.ds(r0, RPT)],
                         sem_gb)
        pltpu.make_async_copy(acc_sh.at[pl.ds(r0, RPT)],
                              sum0.at[pl.ds(r0, RPT)], sem_ga).wait()
        pltpu.make_async_copy(cnt_sh.at[pl.ds(r0, RPT)],
                              cnt0.at[pl.ds(r0, RPT)], sem_gb).wait()

    @pl.when(c == 1)
    def _():
        pltpu.async_copy(acc_sh.at[pl.ds(r0, RPT)], sum1.at[pl.ds(r0, RPT)],
                         sem_ga)
        pltpu.async_copy(cnt_sh.at[pl.ds(r0, RPT)], cnt1.at[pl.ds(r0, RPT)],
                         sem_gb)
        pltpu.make_async_copy(acc_sh.at[pl.ds(r0, RPT)],
                              sum1.at[pl.ds(r0, RPT)], sem_ga).wait()
        pltpu.make_async_copy(cnt_sh.at[pl.ds(r0, RPT)],
                              cnt1.at[pl.ds(r0, RPT)], sem_gb).wait()


_sc_aggregate = functools.partial(
    pl.kernel,
    out_type=[
        jax.ShapeDtypeStruct((NP, F), jnp.float32),
        jax.ShapeDtypeStruct((NP, F), jnp.float32),
        jax.ShapeDtypeStruct((NP,), jnp.float32),
        jax.ShapeDtypeStruct((NP,), jnp.float32),
    ],
    mesh=plsc.VectorSubcoreMesh(core_axis_name="c", subcore_axis_name="s"),
    scratch_types=[
        pltpu.VMEM((CH,), jnp.int32),
        pltpu.VMEM((CH,), jnp.int32),
        pltpu.VMEM((CH, F), jnp.float32),
        pltpu.VMEM((CH,), jnp.int32),
        pltpu.VMEM((CH,), jnp.int32),
        pltpu.VMEM((CH, F), jnp.float32),
        pltpu.VMEM((RPT,), jnp.float32),
        pltpu.VMEM((RPT,), jnp.float32),
        pltpu.VMEM_SHARED((NP, F), jnp.float32),
        pltpu.VMEM_SHARED((NP,), jnp.float32),
        pltpu.SemaphoreType.DMA,
        pltpu.SemaphoreType.DMA,
        pltpu.SemaphoreType.DMA,
        pltpu.SemaphoreType.DMA,
    ],
)(_sc_body)


def _combine_body(s0_ref, s1_ref, c0_ref, c1_ref, o_ref):
    ssum = s0_ref[...] + s1_ref[...]
    csum = c0_ref[...] + c1_ref[...]
    o_ref[...] = ssum / jnp.maximum(csum, 1.0)


_BLK = 1000


def _combine(s0, s1, c0, c1):
    grid = (N // _BLK,)
    return pl.pallas_call(
        _combine_body,
        grid=grid,
        in_specs=[
            pl.BlockSpec((_BLK, F), lambda i: (i, 0)),
            pl.BlockSpec((_BLK, F), lambda i: (i, 0)),
            pl.BlockSpec((_BLK, 1), lambda i: (i, 0)),
            pl.BlockSpec((_BLK, 1), lambda i: (i, 0)),
        ],
        out_specs=pl.BlockSpec((_BLK, F), lambda i: (i, 0)),
        out_shape=jax.ShapeDtypeStruct((N, F), jnp.float32),
    )(s0, s1, c0, c1)


@jax.jit
def kernel(x, edge_index):
    src = edge_index[0].astype(jnp.int32)
    dst = edge_index[1].astype(jnp.int32)
    s0, s1, c0, c1 = _sc_aggregate(x, src, dst)
    return _combine(s0, s1, c0[:, None], c1[:, None])

# --- scband reference (transcript-rebuilt; emitter-appended) ---
"""Pipeline reference for scband-mean-aggregator-88519275970844 (READ-ONLY COPY).

The authoritative reference and input builder live on the scoring server;
editing this copy changes nothing except your own understanding.
"""

import jax, jax.numpy as jnp
import numpy as np

N_NODES = 10000
N_EDGES = 320000
D_FEAT = 128

def setup_inputs(seed: int = 0) -> dict:
    key = jax.random.key(seed)
    k1, k2 = jax.random.split(key)
    x = jax.random.normal(k1, (N_NODES, D_FEAT), dtype=jnp.float32)
    edge_index = jax.random.randint(k2, (2, N_EDGES), 0, N_NODES, dtype=jnp.int64)
    return {"x": x, "edge_index": edge_index}

def reference(x, edge_index):
    # Faithful translation of MeanAggregator.forward:
    # for each node, mean of neighbor features; zeros if no neighbors.
    # adjacency_dict[node] = neighbors  <=>  edges (src=neighbor, dst=node).
    src = edge_index[0]
    dst = edge_index[1]
    n = x.shape[0]
    neighbor_feats = jnp.take(x, src, axis=0)                      # gather [E, F]
    summed = jax.ops.segment_sum(neighbor_feats, dst, num_segments=n)  # scatter-add [N, F]
    counts = jax.ops.segment_sum(jnp.ones((src.shape[0],), dtype=x.dtype), dst, num_segments=n)  # [N]
    denom = jnp.maximum(counts, 1.0)
    mean = summed / denom[:, None]
    # nodes with zero neighbors: summed is already zero -> mean is zero (matches torch.zeros_like branch)
    return mean

if __name__ == "__main__":
    import jax
    _d = setup_inputs()
    print(jax.jit(kernel)(*tuple(_d.values())))

</pallas_src>

<mosaic_0001>
#map = affine_map<(d0, d1) -> (0, 0)>
#map1 = affine_map<(d0, d1) -> (0)>
module attributes {stable_mosaic.version = 14 : i64} {
  func.func @_sc_body(%arg0: i32, %arg1: i32, %arg2: memref<10000x128xf32, #tpu.memory_space<hbm>>, %arg3: memref<320000xi32, #tpu.memory_space<hbm>>, %arg4: memref<320000xi32, #tpu.memory_space<hbm>>, %arg5: memref<10240x128xf32, #tpu.memory_space<hbm>>, %arg6: memref<10240x128xf32, #tpu.memory_space<hbm>>, %arg7: memref<10240xf32, #tpu.memory_space<hbm>>, %arg8: memref<10240xf32, #tpu.memory_space<hbm>>, %arg9: memref<80xi32, #tpu.memory_space<vmem>>, %arg10: memref<80xi32, #tpu.memory_space<vmem>>, %arg11: memref<80x128xf32, #tpu.memory_space<vmem>>, %arg12: memref<80xi32, #tpu.memory_space<vmem>>, %arg13: memref<80xi32, #tpu.memory_space<vmem>>, %arg14: memref<80x128xf32, #tpu.memory_space<vmem>>, %arg15: memref<640xf32, #tpu.memory_space<vmem>>, %arg16: memref<640xf32, #tpu.memory_space<vmem>>, %arg17: memref<10240x128xf32, #tpu.memory_space<vmem_shared>>, %arg18: memref<10240xf32, #tpu.memory_space<vmem_shared>>, %arg19: memref<!tpu.dma_semaphore, #tpu.memory_space<semaphore_mem>>, %arg20: memref<!tpu.dma_semaphore, #tpu.memory_space<semaphore_mem>>, %arg21: memref<!tpu.dma_semaphore, #tpu.memory_space<semaphore_mem>>, %arg22: memref<!tpu.dma_semaphore, #tpu.memory_space<semaphore_mem>>) attributes {dimension_semantics = [#tpu.dimension_semantics<core_parallel>, #tpu.dimension_semantics<subcore_parallel>], iteration_bounds = array<i64: 2, 16>, scalar_prefetch = 0 : i64, scratch_operands = 14 : i64, tpu.core_type = #tpu.core_type<sc_vector_subcore>, window_params = [{transform_indices = #map}, {transform_indices = #map1}, {transform_indices = #map1}, {transform_indices = #map}, {transform_indices = #map}, {transform_indices = #map1}, {transform_indices = #map1}]} {
    %mul3A = arith.constant 2 : i32
    %mul3A_0 = arith.muli %arg1, %mul3A : i32
    %add3A = arith.addi %mul3A_0, %arg0 : i32
    %mul3A_1 = arith.constant 10000 : i32
    %mul3A_2 = arith.muli %add3A, %mul3A_1 : i32
    %add3A_3 = arith.constant 0 : i32
    %add3A_4 = arith.addi %mul3A_2, %add3A_3 : i32
    %min3A = arith.constant 319920 : i32
    %min3A_5 = arith.minsi %add3A_4, %min3A : i32
    %dma_start3A = tpu.memref_slice %arg3[%min3A_5] : memref<320000xi32, #tpu.memory_space<hbm>> -> memref<80xi32, #tpu.memory_space<hbm>>
    %dma_start3A_6 = tpu.memref_slice %arg3[%min3A_5] : memref<320000xi32, #tpu.memory_space<hbm>> -> memref<80xi32, #tpu.memory_space<hbm>>
    tpu.enqueue_dma source(%dma_start3A_6 : memref<80xi32, #tpu.memory_space<hbm>>) target(%arg9 : memref<80xi32, #tpu.memory_space<vmem>>) target_semaphore(%arg19 : memref<!tpu.dma_semaphore, #tpu.memory_space<semaphore_mem>>)
    %dma_start3A_7 = tpu.memref_slice %arg4[%min3A_5] : memref<320000xi32, #tpu.memory_space<hbm>> -> memref<80xi32, #tpu.memory_space<hbm>>
    %dma_start3A_8 = tpu.memref_slice %arg4[%min3A_5] : memref<320000xi32, #tpu.memory_space<hbm>> -> memref<80xi32, #tpu.memory_space<hbm>>
    tpu.enqueue_dma source(%dma_start3A_8 : memref<80xi32, #tpu.memory_space<hbm>>) target(%arg10 : memref<80xi32, #tpu.memory_space<vmem>>) target_semaphore(%arg19 : memref<!tpu.dma_semaphore, #tpu.memory_space<semaphore_mem>>)
    %add3A_9 = arith.constant 80 : i32
    %add3A_10 = arith.addi %mul3A_2, %add3A_9 : i32
    %min3A_11 = arith.constant 319920 : i32
    %min3A_12 = arith.minsi %add3A_10, %min3A_11 : i32
    %dma_start3A_13 = tpu.memref_slice %arg3[%min3A_12] : memref<320000xi32, #tpu.memory_space<hbm>> -> memref<80xi32, #tpu.memory_space<hbm>>
    %dma_start3A_14 = tpu.memref_slice %arg3[%min3A_12] : memref<320000xi32, #tpu.memory_space<hbm>> -> memref<80xi32, #tpu.memory_space<hbm>>
    tpu.enqueue_dma source(%dma_start3A_14 : memref<80xi32, #tpu.memory_space<hbm>>) target(%arg12 : memref<80xi32, #tpu.memory_space<vmem>>) target_semaphore(%arg20 : memref<!tpu.dma_semaphore, #tpu.memory_space<semaphore_mem>>)
    %dma_start3A_15 = tpu.memref_slice %arg4[%min3A_12] : memref<320000xi32, #tpu.memory_space<hbm>> -> memref<80xi32, #tpu.memory_space<hbm>>
    %dma_start3A_16 = tpu.memref_slice %arg4[%min3A_12] : memref<320000xi32, #tpu.memory_space<hbm>> -> memref<80xi32, #tpu.memory_space<hbm>>
    tpu.enqueue_dma source(%dma_start3A_16 : memref<80xi32, #tpu.memory_space<hbm>>) target(%arg13 : memref<80xi32, #tpu.memory_space<vmem>>) target_semaphore(%arg20 : memref<!tpu.dma_semaphore, #tpu.memory_space<semaphore_mem>>)
    %broadcast_in_dim3A = arith.constant 0.000000e+00 : f32
    %broadcast_in_dim3A_17 = vector.broadcast %broadcast_in_dim3A : f32 to vector<16xf32>
    %broadcast_in_dim3A_18 = arith.constant 1.000000e+00 : f32
    %broadcast_in_dim3A_19 = vector.broadcast %broadcast_in_dim3A_18 : f32 to vector<16xf32>
    %scan3A = arith.constant 0 : i32
    %scan3A_20 = arith.constant 0 : i32
    %scan3A_21 = arith.constant 80 : i32
    %scan3A_22 = arith.addi %scan3A_20, %scan3A_21 : i32
    %scan3A_23 = arith.constant 1 : i32
    %scan3A_24 = scf.for %scan3A_171 = %scan3A_20 to %scan3A_22 step %scan3A_23 iter_args(%scan3A_172 = %scan3A) -> (i32)  : i32 {
      %swap3A = arith.index_cast %scan3A_171 : i32 to index
      %swap3A_173 = arith.constant 0 : index
      %swap3A_174 = tpu.vector_load %arg11[%swap3A, %swap3A_173] {strides = array<i32>} : memref<80x128xf32, #tpu.memory_space<vmem>>, vector<1x16xf32>,
      %swap3A_175 = vector.shape_cast %swap3A_174 : vector<1x16xf32> to vector<16xf32>
      %swap3A_176 = vector.shape_cast %broadcast_in_dim3A_17 : vector<16xf32> to vector<1x16xf32>
      tpu.vector_store %arg11[%swap3A, %swap3A_173], %swap3A_176 {strides = array<i32>} : memref<80x128xf32, #tpu.memory_space<vmem>>, vector<1x16xf32>,
      %swap3A_177 = arith.index_cast %scan3A_171 : i32 to index
      %swap3A_178 = arith.constant 16 : index
      %swap3A_179 = tpu.vector_load %arg11[%swap3A_177, %swap3A_178] {strides = array<i32>} : memref<80x128xf32, #tpu.memory_space<vmem>>, vector<1x16xf32>,
      %swap3A_180 = vector.shape_cast %swap3A_179 : vector<1x16xf32> to vector<16xf32>
      %swap3A_181 = vector.shape_cast %broadcast_in_dim3A_17 : vector<16xf32> to vector<1x16xf32>
      tpu.vector_store %arg11[%swap3A_177, %swap3A_178], %swap3A_181 {strides = array<i32>} : memref<80x128xf32, #tpu.memory_space<vmem>>, vector<1x16xf32>,
      %swap3A_182 = arith.index_cast %scan3A_171 : i32 to index
      %swap3A_183 = arith.constant 32 : index
      %swap3A_184 = tpu.vector_load %arg11[%swap3A_182, %swap3A_183] {strides = array<i32>} : memref<80x128xf32, #tpu.memory_space<vmem>>, vector<1x16xf32>,
      %swap3A_185 = vector.shape_cast %swap3A_184 : vector<1x16xf32> to vector<16xf32>
      %swap3A_186 = vector.shape_cast %broadcast_in_dim3A_17 : vector<16xf32> to vector<1x16xf32>
      tpu.vector_store %arg11[%swap3A_182, %swap3A_183], %swap3A_186 {strides = array<i32>} : memref<80x128xf32, #tpu.memory_space<vmem>>, vector<1x16xf32>,
      %swap3A_187 = arith.index_cast %scan3A_171 : i32 to index
      %swap3A_188 = arith.constant 48 : index
      %swap3A_189 = tpu.vector_load %arg11[%swap3A_187, %swap3A_188] {strides = array<i32>} : memref<80x128xf32, #tpu.memory_space<vmem>>, vector<1x16xf32>,
      %swap3A_190 = vector.shape_cast %swap3A_189 : vector<1x16xf32> to vector<16xf32>
      %swap3A_191 = vector.shape_cast %broadcast_in_dim3A_17 : vector<16xf32> to vector<1x16xf32>
      tpu.vector_store %arg11[%swap3A_187, %swap3A_188], %swap3A_191 {strides = array<i32>} : memref<80x128xf32, #tpu.memory_space<vmem>>, vector<1x16xf32>,
      %swap3A_192 = arith.index_cast %scan3A_171 : i32 to index
      %swap3A_193 = arith.constant 64 : index
      %swap3A_194 = tpu.vector_load %arg11[%swap3A_192, %swap3A_193] {strides = array<i32>} : memref<80x128xf32, #tpu.memory_space<vmem>>, vector<1x16xf32>,
      %swap3A_195 = vector.shape_cast %swap3A_194 : vector<1x16xf32> to vector<16xf32>
      %swap3A_196 = vector.shape_cast %broadcast_in_dim3A_17 : vector<16xf32> to vector<1x16xf32>
      tpu.vector_store %arg11[%swap3A_192, %swap3A_193], %swap3A_196 {strides = array<i32>} : memref<80x128xf32, #tpu.memory_space<vmem>>, vector<1x16xf32>,
      %swap3A_197 = arith.index_cast %scan3A_171 : i32 to index
      %swap3A_198 = arith.constant 80 : index
      %swap3A_199 = tpu.vector_load %arg11[%swap3A_197, %swap3A_198] {strides = array<i32>} : memref<80x128xf32, #tpu.memory_space<vmem>>, vector<1x16xf32>,
      %swap3A_200 = vector.shape_cast %swap3A_199 : vector<1x16xf32> to vector<16xf32>
      %swap3A_201 = vector.shape_cast %broadcast_in_dim3A_17 : vector<16xf32> to vector<1x16xf32>
      tpu.vector_store %arg11[%swap3A_197, %swap3A_198], %swap3A_201 {strides = array<i32>} : memref<80x128xf32, #tpu.memory_space<vmem>>, vector<1x16xf32>,
      %swap3A_202 = arith.index_cast %scan3A_171 : i32 to index
      %swap3A_203 = arith.constant 96 : index
      %swap3A_204 = tpu.vector_load %arg11[%swap3A_202, %swap3A_203] {strides = array<i32>} : memref<80x128xf32, #tpu.memory_space<vmem>>, vector<1x16xf32>,
      %swap3A_205 = vector.shape_cast %swap3A_204 : vector<1x16xf32> to vector<16xf32>
      %swap3A_206 = vector.shape_cast %broadcast_in_dim3A_17 : vector<16xf32> to vector<1x16xf32>
      tpu.vector_store %arg11[%swap3A_202, %swap3A_203], %swap3A_206 {strides = array<i32>} : memref<80x128xf32, #tpu.memory_space<vmem>>, vector<1x16xf32>,
      %swap3A_207 = arith.index_cast %scan3A_171 : i32 to index
      %swap3A_208 = arith.constant 112 : index
      %swap3A_209 = tpu.vector_load %arg11[%swap3A_207, %swap3A_208] {strides = array<i32>} : memref<80x128xf32, #tpu.memory_space<vmem>>, vector<1x16xf32>,
      %swap3A_210 = vector.shape_cast %swap3A_209 : vector<1x16xf32> to vector<16xf32>
      %swap3A_211 = vector.shape_cast %broadcast_in_dim3A_17 : vector<16xf32> to vector<1x16xf32>
      tpu.vector_store %arg11[%swap3A_207, %swap3A_208], %swap3A_211 {strides = array<i32>} : memref<80x128xf32, #tpu.memory_space<vmem>>, vector<1x16xf32>,
      %scan3A_212 = arith.constant 0 : i32
      scf.yield %scan3A_212 : i32
    }
    %scan3A_25 = arith.constant 80 : i32
    %scan3A_26 = arith.constant 0 : i32
    %scan3A_27 = arith.constant 0 : i32
    %scan3A_28 = arith.constant 40 : i32
    %scan3A_29 = arith.addi %scan3A_27, %scan3A_28 : i32
    %scan3A_30 = arith.constant 1 : i32
    %scan3A_31 = scf.for %scan3A_171 = %scan3A_27 to %scan3A_29 step %scan3A_30 iter_args(%scan3A_172 = %scan3A_26) -> (i32)  : i32 {
      %mul3A_173 = arith.constant 16 : i32
      %mul3A_174 = arith.muli %scan3A_171, %mul3A_173 : i32
      %swap3A = arith.index_cast %mul3A_174 : i32 to index
      %swap3A_175 = tpu.vector_load %arg15[%swap3A] {strides = array<i32>} : memref<640xf32, #tpu.memory_space<vmem>>, vector<16xf32>,
      %swap3A_176 = vector.shape_cast %swap3A_175 : vector<16xf32> to vector<16xf32>
      %swap3A_177 = vector.shape_cast %broadcast_in_dim3A_19 : vector<16xf32> to vector<16xf32>
      tpu.vector_store %arg15[%swap3A], %swap3A_177 {strides = array<i32>} : memref<640xf32, #tpu.memory_space<vmem>>, vector<16xf32>,
      %mul3A_178 = arith.constant 16 : i32
      %mul3A_179 = arith.muli %scan3A_171, %mul3A_178 : i32
      %swap3A_180 = arith.index_cast %mul3A_179 : i32 to index
      %swap3A_181 = tpu.vector_load %arg16[%swap3A_180] {strides = array<i32>} : memref<640xf32, #tpu.memory_space<vmem>>, vector<16xf32>,
      %swap3A_182 = vector.shape_cast %swap3A_181 : vector<16xf32> to vector<16xf32>
      %swap3A_183 = vector.shape_cast %broadcast_in_dim3A_17 : vector<16xf32> to vector<16xf32>
      tpu.vector_store %arg16[%swap3A_180], %swap3A_183 {strides = array<i32>} : memref<640xf32, #tpu.memory_space<vmem>>, vector<16xf32>,
      %scan3A_184 = arith.constant 0 : i32
      scf.yield %scan3A_184 : i32
    }
    %scan3A_32 = arith.constant 40 : i32
    %mul3A_33 = arith.constant 640 : i32
    %mul3A_34 = arith.muli %arg1, %mul3A_33 : i32
    %add3A_35 = arith.constant 0 : i32
    %add3A_36 = arith.addi %mul3A_34, %add3A_35 : i32
    %dma_start3A_37 = arith.constant 0 : i32
    %dma_start3A_38 = tpu.memref_slice %arg17[%add3A_36, %dma_start3A_37] : memref<10240x128xf32, #tpu.memory_space<vmem_shared>> -> memref<80x128xf32, #tpu.memory_space<vmem_shared>>
    %dma_start3A_39 = arith.constant 0 : i32
    %dma_start3A_40 = tpu.memref_slice %arg17[%add3A_36, %dma_start3A_39] : memref<10240x128xf32, #tpu.memory_space<vmem_shared>> -> memref<80x128xf32, #tpu.memory_space<vmem_shared>>
    tpu.enqueue_dma source(%arg11 : memref<80x128xf32, #tpu.memory_space<vmem>>) target(%dma_start3A_40 : memref<80x128xf32, #tpu.memory_space<vmem_shared>>) target_semaphore(%arg21 : memref<!tpu.dma_semaphore, #tpu.memory_space<semaphore_mem>>)
    %add3A_41 = arith.constant 80 : i32
    %add3A_42 = arith.addi %mul3A_34, %add3A_41 : i32
    %dma_start3A_43 = arith.constant 0 : i32
    %dma_start3A_44 = tpu.memref_slice %arg17[%add3A_42, %dma_start3A_43] : memref<10240x128xf32, #tpu.memory_space<vmem_shared>> -> memref<80x128xf32, #tpu.memory_space<vmem_shared>>
    %dma_start3A_45 = arith.constant 0 : i32
    %dma_start3A_46 = tpu.memref_slice %arg17[%add3A_42, %dma_start3A_45] : memref<10240x128xf32, #tpu.memory_space<vmem_shared>> -> memref<80x128xf32, #tpu.memory_space<vmem_shared>>
    tpu.enqueue_dma source(%arg11 : memref<80x128xf32, #tpu.memory_space<vmem>>) target(%dma_start3A_46 : memref<80x128xf32, #tpu.memory_space<vmem_shared>>) target_semaphore(%arg21 : memref<!tpu.dma_semaphore, #tpu.memory_space<semaphore_mem>>)
    %add3A_47 = arith.constant 160 : i32
    %add3A_48 = arith.addi %mul3A_34, %add3A_47 : i32
    %dma_start3A_49 = arith.constant 0 : i32
    %dma_start3A_50 = tpu.memref_slice %arg17[%add3A_48, %dma_start3A_49] : memref<10240x128xf32, #tpu.memory_space<vmem_shared>> -> memref<80x128xf32, #tpu.memory_space<vmem_shared>>
    %dma_start3A_51 = arith.constant 0 : i32
    %dma_start3A_52 = tpu.memref_slice %arg17[%add3A_48, %dma_start3A_51] : memref<10240x128xf32, #tpu.memory_space<vmem_shared>> -> memref<80x128xf32, #tpu.memory_space<vmem_shared>>
    tpu.enqueue_dma source(%arg11 : memref<80x128xf32, #tpu.memory_space<vmem>>) target(%dma_start3A_52 : memref<80x128xf32, #tpu.memory_space<vmem_shared>>) target_semaphore(%arg21 : memref<!tpu.dma_semaphore, #tpu.memory_space<semaphore_mem>>)
    %add3A_53 = arith.constant 240 : i32
    %add3A_54 = arith.addi %mul3A_34, %add3A_53 : i32
    %dma_start3A_55 = arith.constant 0 : i32
    %dma_start3A_56 = tpu.memref_slice %arg17[%add3A_54, %dma_start3A_55] : memref<10240x128xf32, #tpu.memory_space<vmem_shared>> -> memref<80x128xf32, #tpu.memory_space<vmem_shared>>
    %dma_start3A_57 = arith.constant 0 : i32
    %dma_start3A_58 = tpu.memref_slice %arg17[%add3A_54, %dma_start3A_57] : memref<10240x128xf32, #tpu.memory_space<vmem_shared>> -> memref<80x128xf32, #tpu.memory_space<vmem_shared>>
    tpu.enqueue_dma source(%arg11 : memref<80x128xf32, #tpu.memory_space<vmem>>) target(%dma_start3A_58 : memref<80x128xf32, #tpu.memory_space<vmem_shared>>) target_semaphore(%arg21 : memref<!tpu.dma_semaphore, #tpu.memory_space<semaphore_mem>>)
    %add3A_59 = arith.constant 320 : i32
    %add3A_60 = arith.addi %mul3A_34, %add3A_59 : i32
    %dma_start3A_61 = arith.constant 0 : i32
    %dma_start3A_62 = tpu.memref_slice %arg17[%add3A_60, %dma_start3A_61] : memref<10240x128xf32, #tpu.memory_space<vmem_shared>> -> memref<80x128xf32, #tpu.memory_space<vmem_shared>>
    %dma_start3A_63 = arith.constant 0 : i32
    %dma_start3A_64 = tpu.memref_slice %arg17[%add3A_60, %dma_start3A_63] : memref<10240x128xf32, #tpu.memory_space<vmem_shared>> -> memref<80x128xf32, #tpu.memory_space<vmem_shared>>
    tpu.enqueue_dma source(%arg11 : memref<80x128xf32, #tpu.memory_space<vmem>>) target(%dma_start3A_64 : memref<80x128xf32, #tpu.memory_space<vmem_shared>>) target_semaphore(%arg21 : memref<!tpu.dma_semaphore, #tpu.memory_space<semaphore_mem>>)
    %add3A_65 = arith.constant 400 : i32
    %add3A_66 = arith.addi %mul3A_34, %add3A_65 : i32
    %dma_start3A_67 = arith.constant 0 : i32
    %dma_start3A_68 = tpu.memref_slice %arg17[%add3A_66, %dma_start3A_67] : memref<10240x128xf32, #tpu.memory_space<vmem_shared>> -> memref<80x128xf32, #tpu.memory_space<vmem_shared>>
    %dma_start3A_69 = arith.constant 0 : i32
    %dma_start3A_70 = tpu.memref_slice %arg17[%add3A_66, %dma_start3A_69] : memref<10240x128xf32, #tpu.memory_space<vmem_shared>> -> memref<80x128xf32, #tpu.memory_space<vmem_shared>>
    tpu.enqueue_dma source(%arg11 : memref<80x128xf32, #tpu.memory_space<vmem>>) target(%dma_start3A_70 : memref<80x128xf32, #tpu.memory_space<vmem_shared>>) target_semaphore(%arg21 : memref<!tpu.dma_semaphore, #tpu.memory_space<semaphore_mem>>)
    %add3A_71 = arith.constant 480 : i32
    %add3A_72 = arith.addi %mul3A_34, %add3A_71 : i32
    %dma_start3A_73 = arith.constant 0 : i32
    %dma_start3A_74 = tpu.memref_slice %arg17[%add3A_72, %dma_start3A_73] : memref<10240x128xf32, #tpu.memory_space<vmem_shared>> -> memref<80x128xf32, #tpu.memory_space<vmem_shared>>
    %dma_start3A_75 = arith.constant 0 : i32
    %dma_start3A_76 = tpu.memref_slice %arg17[%add3A_72, %dma_start3A_75] : memref<10240x128xf32, #tpu.memory_space<vmem_shared>> -> memref<80x128xf32, #tpu.memory_space<vmem_shared>>
    tpu.enqueue_dma source(%arg11 : memref<80x128xf32, #tpu.memory_space<vmem>>) target(%dma_start3A_76 : memref<80x128xf32, #tpu.memory_space<vmem_shared>>) target_semaphore(%arg21 : memref<!tpu.dma_semaphore, #tpu.memory_space<semaphore_mem>>)
    %add3A_77 = arith.constant 560 : i32
    %add3A_78 = arith.addi %mul3A_34, %add3A_77 : i32
    %dma_start3A_79 = arith.constant 0 : i32
    %dma_start3A_80 = tpu.memref_slice %arg17[%add3A_78, %dma_start3A_79] : memref<10240x128xf32, #tpu.memory_space<vmem_shared>> -> memref<80x128xf32, #tpu.memory_space<vmem_shared>>
    %dma_start3A_81 = arith.constant 0 : i32
    %dma_start3A_82 = tpu.memref_slice %arg17[%add3A_78, %dma_start3A_81] : memref<10240x128xf32, #tpu.memory_space<vmem_shared>> -> memref<80x128xf32, #tpu.memory_space<vmem_shared>>
    tpu.enqueue_dma source(%arg11 : memref<80x128xf32, #tpu.memory_space<vmem>>) target(%dma_start3A_82 : memref<80x128xf32, #tpu.memory_space<vmem_shared>>) target_semaphore(%arg21 : memref<!tpu.dma_semaphore, #tpu.memory_space<semaphore_mem>>)
    %dma_start3A_83 = tpu.memref_slice %arg18[%mul3A_34] : memref<10240xf32, #tpu.memory_space<vmem_shared>> -> memref<640xf32, #tpu.memory_space<vmem_shared>>
    %dma_start3A_84 = tpu.memref_slice %arg18[%mul3A_34] : memref<10240xf32, #tpu.memory_space<vmem_shared>> -> memref<640xf32, #tpu.memory_space<vmem_shared>>
    tpu.enqueue_dma source(%arg16 : memref<640xf32, #tpu.memory_space<vmem>>) target(%dma_start3A_84 : memref<640xf32, #tpu.memory_space<vmem_shared>>) target_semaphore(%arg21 : memref<!tpu.dma_semaphore, #tpu.memory_space<semaphore_mem>>)
    %add3A_85 = arith.constant 0 : i32
    %add3A_86 = arith.addi %mul3A_34, %add3A_85 : i32
    %dma_wait3A = arith.constant 0 : i32
    %dma_wait3A_87 = tpu.memref_slice %arg17[%add3A_86, %dma_wait3A] : memref<10240x128xf32, #tpu.memory_space<vmem_shared>> -> memref<80x128xf32, #tpu.memory_space<vmem_shared>>
    %dma_wait3A_88 = arith.constant 0 : i32
    %dma_wait3A_89 = tpu.memref_slice %arg17[%add3A_86, %dma_wait3A_88] : memref<10240x128xf32, #tpu.memory_space<vmem_shared>> -> memref<80x128xf32, #tpu.memory_space<vmem_shared>>
    tpu.wait_dma2 semaphore(%arg21 : memref<!tpu.dma_semaphore, #tpu.memory_space<semaphore_mem>>) src(%arg11 : memref<80x128xf32, #tpu.memory_space<vmem>>) dst(%dma_wait3A_89 : memref<80x128xf32, #tpu.memory_space<vmem_shared>>)
    %add3A_90 = arith.constant 80 : i32
    %add3A_91 = arith.addi %mul3A_34, %add3A_90 : i32
    %dma_wait3A_92 = arith.constant 0 : i32
    %dma_wait3A_93 = tpu.memref_slice %arg17[%add3A_91, %dma_wait3A_92] : memref<10240x128xf32, #tpu.memory_space<vmem_shared>> -> memref<80x128xf32, #tpu.memory_space<vmem_shared>>
    %dma_wait3A_94 = arith.constant 0 : i32
    %dma_wait3A_95 = tpu.memref_slice %arg17[%add3A_91, %dma_wait3A_94] : memref<10240x128xf32, #tpu.memory_space<vmem_shared>> -> memref<80x128xf32, #tpu.memory_space<vmem_shared>>
    tpu.wait_dma2 semaphore(%arg21 : memref<!tpu.dma_semaphore, #tpu.memory_space<semaphore_mem>>) src(%arg11 : memref<80x128xf32, #tpu.memory_space<vmem>>) dst(%dma_wait3A_95 : memref<80x128xf32, #tpu.memory_space<vmem_shared>>)
    %add3A_96 = arith.constant 160 : i32
    %add3A_97 = arith.addi %mul3A_34, %add3A_96 : i32
    %dma_wait3A_98 = arith.constant 0 : i32
    %dma_wait3A_99 = tpu.memref_slice %arg17[%add3A_97, %dma_wait3A_98] : memref<10240x128xf32, #tpu.memory_space<vmem_shared>> -> memref<80x128xf32, #tpu.memory_space<vmem_shared>>
    %dma_wait3A_100 = arith.constant 0 : i32
    %dma_wait3A_101 = tpu.memref_slice %arg17[%add3A_97, %dma_wait3A_100] : memref<10240x128xf32, #tpu.memory_space<vmem_shared>> -> memref<80x128xf32, #tpu.memory_space<vmem_shared>>
    tpu.wait_dma2 semaphore(%arg21 : memref<!tpu.dma_semaphore, #tpu.memory_space<semaphore_mem>>) src(%arg11 : memref<80x128xf32, #tpu.memory_space<vmem>>) dst(%dma_wait3A_101 : memref<80x128xf32, #tpu.memory_space<vmem_shared>>)
    %add3A_102 = arith.constant 240 : i32
    %add3A_103 = arith.addi %mul3A_34, %add3A_102 : i32
    %dma_wait3A_104 = arith.constant 0 : i32
    %dma_wait3A_105 = tpu.memref_slice %arg17[%add3A_103, %dma_wait3A_104] : memref<10240x128xf32, #tpu.memory_space<vmem_shared>> -> memref<80x128xf32, #tpu.memory_space<vmem_shared>>
    %dma_wait3A_106 = arith.constant 0 : i32
    %dma_wait3A_107 = tpu.memref_slice %arg17[%add3A_103, %dma_wait3A_106] : memref<10240x128xf32, #tpu.memory_space<vmem_shared>> -> memref<80x128xf32, #tpu.memory_space<vmem_shared>>
    tpu.wait_dma2 semaphore(%arg21 : memref<!tpu.dma_semaphore, #tpu.memory_space<semaphore_mem>>) src(%arg11 : memref<80x128xf32, #tpu.memory_space<vmem>>) dst(%dma_wait3A_107 : memref<80x128xf32, #tpu.memory_space<vmem_shared>>)
    %add3A_108 = arith.constant 320 : i32
    %add3A_109 = arith.addi %mul3A_34, %add3A_108 : i32
    %dma_wait3A_110 = arith.constant 0 : i32
    %dma_wait3A_111 = tpu.memref_slice %arg17[%add3A_109, %dma_wait3A_110] : memref<10240x128xf32, #tpu.memory_space<vmem_shared>> -> memref<80x128xf32, #tpu.memory_space<vmem_shared>>
    %dma_wait3A_112 = arith.constant 0 : i32
    %dma_wait3A_113 = tpu.memref_slice %arg17[%add3A_109, %dma_wait3A_112] : memref<10240x128xf32, #tpu.memory_space<vmem_shared>> -> memref<80x128xf32, #tpu.memory_space<vmem_shared>>
    tpu.wait_dma2 semaphore(%arg21 : memref<!tpu.dma_semaphore, #tpu.memory_space<semaphore_mem>>) src(%arg11 : memref<80x128xf32, #tpu.memory_space<vmem>>) dst(%dma_wait3A_113 : memref<80x128xf32, #tpu.memory_space<vmem_shared>>)
    %add3A_114 = arith.constant 400 : i32
    %add3A_115 = arith.addi %mul3A_34, %add3A_114 : i32
    %dma_wait3A_116 = arith.constant 0 : i32
    %dma_wait3A_117 = tpu.memref_slice %arg17[%add3A_115, %dma_wait3A_116] : memref<10240x128xf32, #tpu.memory_space<vmem_shared>> -> memref<80x128xf32, #tpu.memory_space<vmem_shared>>
    %dma_wait3A_118 = arith.constant 0 : i32
    %dma_wait3A_119 = tpu.memref_slice %arg17[%add3A_115, %dma_wait3A_118] : memref<10240x128xf32, #tpu.memory_space<vmem_shared>> -> memref<80x128xf32, #tpu.memory_space<vmem_shared>>
    tpu.wait_dma2 semaphore(%arg21 : memref<!tpu.dma_semaphore, #tpu.memory_space<semaphore_mem>>) src(%arg11 : memref<80x128xf32, #tpu.memory_space<vmem>>) dst(%dma_wait3A_119 : memref<80x128xf32, #tpu.memory_space<vmem_shared>>)
    %add3A_120 = arith.constant 480 : i32
    %add3A_121 = arith.addi %mul3A_34, %add3A_120 : i32
    %dma_wait3A_122 = arith.constant 0 : i32
    %dma_wait3A_123 = tpu.memref_slice %arg17[%add3A_121, %dma_wait3A_122] : memref<10240x128xf32, #tpu.memory_space<vmem_shared>> -> memref<80x128xf32, #tpu.memory_space<vmem_shared>>
    %dma_wait3A_124 = arith.constant 0 : i32
    %dma_wait3A_125 = tpu.memref_slice %arg17[%add3A_121, %dma_wait3A_124] : memref<10240x128xf32, #tpu.memory_space<vmem_shared>> -> memref<80x128xf32, #tpu.memory_space<vmem_shared>>
    tpu.wait_dma2 semaphore(%arg21 : memref<!tpu.dma_semaphore, #tpu.memory_space<semaphore_mem>>) src(%arg11 : memref<80x128xf32, #tpu.memory_space<vmem>>) dst(%dma_wait3A_125 : memref<80x128xf32, #tpu.memory_space<vmem_shared>>)
    %add3A_126 = arith.constant 560 : i32
    %add3A_127 = arith.addi %mul3A_34, %add3A_126 : i32
    %dma_wait3A_128 = arith.constant 0 : i32
    %dma_wait3A_129 = tpu.memref_slice %arg17[%add3A_127, %dma_wait3A_128] : memref<10240x128xf32, #tpu.memory_space<vmem_shared>> -> memref<80x128xf32, #tpu.memory_space<vmem_shared>>
    %dma_wait3A_130 = arith.constant 0 : i32
    %dma_wait3A_131 = tpu.memref_slice %arg17[%add3A_127, %dma_wait3A_130] : memref<10240x128xf32, #tpu.memory_space<vmem_shared>> -> memref<80x128xf32, #tpu.memory_space<vmem_shared>>
    tpu.wait_dma2 semaphore(%arg21 : memref<!tpu.dma_semaphore, #tpu.memory_space<semaphore_mem>>) src(%arg11 : memref<80x128xf32, #tpu.memory_space<vmem>>) dst(%dma_wait3A_131 : memref<80x128xf32, #tpu.memory_space<vmem_shared>>)
    %dma_wait3A_132 = tpu.memref_slice %arg18[%mul3A_34] : memref<10240xf32, #tpu.memory_space<vmem_shared>> -> memref<640xf32, #tpu.memory_space<vmem_shared>>
    %dma_wait3A_133 = tpu.memref_slice %arg18[%mul3A_34] : memref<10240xf32, #tpu.memory_space<vmem_shared>> -> memref<640xf32, #tpu.memory_space<vmem_shared>>
    tpu.wait_dma2 semaphore(%arg21 : memref<!tpu.dma_semaphore, #tpu.memory_space<semaphore_mem>>) src(%arg16 : memref<640xf32, #tpu.memory_space<vmem>>) dst(%dma_wait3A_133 : memref<640xf32, #tpu.memory_space<vmem_shared>>)
    %barrier3A = arith.constant 0 : index
    tpu.barrier barrier_id(%barrier3A)
    %dma_wait3A_134 = arith.constant 0 : i32
    %dma_wait3A_135 = tpu.memref_slice %arg3[%dma_wait3A_134] : memref<320000xi32, #tpu.memory_space<hbm>> -> memref<80xi32, #tpu.memory_space<hbm>>
    %dma_wait3A_136 = arith.constant 0 : i32
    %dma_wait3A_137 = tpu.memref_slice %arg3[%dma_wait3A_136] : memref<320000xi32, #tpu.memory_space<hbm>> -> memref<80xi32, #tpu.memory_space<hbm>>
    tpu.wait_dma2 semaphore(%arg19 : memref<!tpu.dma_semaphore, #tpu.memory_space<semaphore_mem>>) src(%dma_wait3A_137 : memref<80xi32, #tpu.memory_space<hbm>>) dst(%arg9 : memref<80xi32, #tpu.memory_space<vmem>>)
    %dma_wait3A_138 = arith.constant 0 : i32
    %dma_wait3A_139 = tpu.memref_slice %arg4[%dma_wait3A_138] : memref<320000xi32, #tpu.memory_space<hbm>> -> memref<80xi32, #tpu.memory_space<hbm>>
    %dma_wait3A_140 = arith.constant 0 : i32
    %dma_wait3A_141 = tpu.memref_slice %arg4[%dma_wait3A_140] : memref<320000xi32, #tpu.memory_space<hbm>> -> memref<80xi32, #tpu.memory_space<hbm>>
    tpu.wait_dma2 semaphore(%arg19 : memref<!tpu.dma_semaphore, #tpu.memory_space<semaphore_mem>>) src(%dma_wait3A_141 : memref<80xi32, #tpu.memory_space<hbm>>) dst(%arg10 : memref<80xi32, #tpu.memory_space<vmem>>)
    %dma_start3A_142 = arith.constant 0 : i32
    %dma_start3A_143 = arith.constant 0 : i32
    %dma_start3A_144 = tpu.memref_slice %arg2[%dma_start3A_142, %dma_start3A_143] : memref<10000x128xf32, #tpu.memory_space<hbm>> -> memref<10000x128xf32, #tpu.memory_space<hbm>>
    tpu.enqueue_indirect_dma source(%dma_start3A_144 : memref<10000x128xf32, #tpu.memory_space<hbm>>) target(%arg11 : memref<80x128xf32, #tpu.memory_space<vmem>>) offsets(%arg9 : memref<80xi32, #tpu.memory_space<vmem>>) semaphore(%arg21 : memref<!tpu.dma_semaphore, #tpu.memory_space<semaphore_mem>>)
    %scan3A_145 = arith.constant 0 : i32
    %scan3A_146 = arith.constant 0 : i32
    %scan3A_147 = arith.constant 62 : i32
    %scan3A_148 = arith.addi %scan3A_146, %scan3A_147 : i32
    %scan3A_149 = arith.constant 1 : i32
    %scan3A_150 = scf.for %scan3A_171 = %scan3A_146 to %scan3A_148 step %scan3A_149 iter_args(%scan3A_172 = %scan3A_145) -> (i32)  : i32 {
      %mul3A_173 = arith.constant 2 : i32
      %mul3A_174 = arith.muli %mul3A_173, %scan3A_171 : i32
      %dma_wait3A_175 = arith.constant 0 : i32
      %dma_wait3A_176 = tpu.memref_slice %arg3[%dma_wait3A_175] : memref<320000xi32, #tpu.memory_space<hbm>> -> memref<80xi32, #tpu.memory_space<hbm>>
      %dma_wait3A_177 = arith.constant 0 : i32
      %dma_wait3A_178 = tpu.memref_slice %arg3[%dma_wait3A_177] : memref<320000xi32, #tpu.memory_space<hbm>> -> memref<80xi32, #tpu.memory_space<hbm>>
      tpu.wait_dma2 semaphore(%arg20 : memref<!tpu.dma_semaphore, #tpu.memory_space<semaphore_mem>>) src(%dma_wait3A_178 : memref<80xi32, #tpu.memory_space<hbm>>) dst(%arg12 : memref<80xi32, #tpu.memory_space<vmem>>)
      %dma_wait3A_179 = arith.constant 0 : i32
      %dma_wait3A_180 = tpu.memref_slice %arg4[%dma_wait3A_179] : memref<320000xi32, #tpu.memory_space<hbm>> -> memref<80xi32, #tpu.memory_space<hbm>>
      %dma_wait3A_181 = arith.constant 0 : i32
      %dma_wait3A_182 = tpu.memref_slice %arg4[%dma_wait3A_181] : memref<320000xi32, #tpu.memory_space<hbm>> -> memref<80xi32, #tpu.memory_space<hbm>>
      tpu.wait_dma2 semaphore(%arg20 : memref<!tpu.dma_semaphore, #tpu.memory_space<semaphore_mem>>) src(%dma_wait3A_182 : memref<80xi32, #tpu.memory_space<hbm>>) dst(%arg13 : memref<80xi32, #tpu.memory_space<vmem>>)
      %dma_start3A_183 = arith.constant 0 : i32
      %dma_start3A_184 = arith.constant 0 : i32
      %dma_start3A_185 = tpu.memref_slice %arg2[%dma_start3A_183, %dma_start3A_184] : memref<10000x128xf32, #tpu.memory_space<hbm>> -> memref<10000x128xf32, #tpu.memory_space<hbm>>
      tpu.enqueue_indirect_dma source(%dma_start3A_185 : memref<10000x128xf32, #tpu.memory_space<hbm>>) target(%arg14 : memref<80x128xf32, #tpu.memory_space<vmem>>) offsets(%arg12 : memref<80xi32, #tpu.memory_space<vmem>>) semaphore(%arg22 : memref<!tpu.dma_semaphore, #tpu.memory_space<semaphore_mem>>)
      %dma_wait3A_186 = arith.constant 0 : i32
      %dma_wait3A_187 = arith.constant 0 : i32
      %dma_wait3A_188 = tpu.memref_slice %arg2[%dma_wait3A_186, %dma_wait3A_187] : memref<10000x128xf32, #tpu.memory_space<hbm>> -> memref<10000x128xf32, #tpu.memory_space<hbm>>
      tpu.wait_indirect_dma semaphore(%arg21 : memref<!tpu.dma_semaphore, #tpu.memory_space<semaphore_mem>>) src(%dma_wait3A_188 : memref<10000x128xf32, #tpu.memory_space<hbm>>) dst(%arg11 : memref<80x128xf32, #tpu.memory_space<vmem>>)
      "tpu.region"() ({
        %run_scoped3A = tpu.sem_alloc : memref<!tpu.dma_semaphore, #tpu.memory_space<semaphore_mem>>
        %dma_start3A_226 = arith.constant 0 : i32
        %dma_start3A_227 = arith.constant 0 : i32
        %dma_start3A_228 = tpu.memref_slice %arg17[%dma_start3A_226, %dma_start3A_227] : memref<10240x128xf32, #tpu.memory_space<vmem_shared>> -> memref<10240x128xf32, #tpu.memory_space<vmem_shared>>
        tpu.enqueue_indirect_dma source(%arg11 : memref<80x128xf32, #tpu.memory_space<vmem>>) target(%dma_start3A_228 : memref<10240x128xf32, #tpu.memory_space<vmem_shared>>) offsets(%arg10 : memref<80xi32, #tpu.memory_space<vmem>>) semaphore(%run_scoped3A : memref<!tpu.dma_semaphore, #tpu.memory_space<semaphore_mem>>) {add = true}
        %dma_wait3A_229 = arith.constant 0 : i32
        %dma_wait3A_230 = arith.constant 0 : i32
        %dma_wait3A_231 = tpu.memref_slice %arg17[%dma_wait3A_229, %dma_wait3A_230] : memref<10240x128xf32, #tpu.memory_space<vmem_shared>> -> memref<10240x128xf32, #tpu.memory_space<vmem_shared>>
        tpu.wait_indirect_dma semaphore(%run_scoped3A : memref<!tpu.dma_semaphore, #tpu.memory_space<semaphore_mem>>) src(%arg11 : memref<80x128xf32, #tpu.memory_space<vmem>>) dst(%dma_wait3A_231 : memref<10240x128xf32, #tpu.memory_space<vmem_shared>>)
        tpu.yield
      }) : () -> ()
      "tpu.region"() ({
        %run_scoped3A = tpu.sem_alloc : memref<!tpu.dma_semaphore, #tpu.memory_space<semaphore_mem>>
        %dma_start3A_226 = arith.constant 0 : i32
        %dma_start3A_227 = tpu.memref_slice %arg15[%dma_start3A_226] : memref<640xf32, #tpu.memory_space<vmem>> -> memref<80xf32, #tpu.memory_space<vmem>>
        %dma_start3A_228 = arith.constant 0 : i32
        %dma_start3A_229 = tpu.memref_slice %arg18[%dma_start3A_228] : memref<10240xf32, #tpu.memory_space<vmem_shared>> -> memref<10240xf32, #tpu.memory_space<vmem_shared>>
        tpu.enqueue_indirect_dma source(%dma_start3A_227 : memref<80xf32, #tpu.memory_space<vmem>>) target(%dma_start3A_229 : memref<10240xf32, #tpu.memory_space<vmem_shared>>) offsets(%arg10 : memref<80xi32, #tpu.memory_space<vmem>>) semaphore(%run_scoped3A : memref<!tpu.dma_semaphore, #tpu.memory_space<semaphore_mem>>) {add = true}
        %dma_wait3A_230 = arith.constant 0 : i32
        %dma_wait3A_231 = tpu.memref_slice %arg15[%dma_wait3A_230] : memref<640xf32, #tpu.memory_space<vmem>> -> memref<80xf32, #tpu.memory_space<vmem>>
        %dma_wait3A_232 = arith.constant 0 : i32
        %dma_wait3A_233 = tpu.memref_slice %arg18[%dma_wait3A_232] : memref<10240xf32, #tpu.memory_space<vmem_shared>> -> memref<10240xf32, #tpu.memory_space<vmem_shared>>
        tpu.wait_indirect_dma semaphore(%run_scoped3A : memref<!tpu.dma_semaphore, #tpu.memory_space<semaphore_mem>>) src(%dma_wait3A_231 : memref<80xf32, #tpu.memory_space<vmem>>) dst(%dma_wait3A_233 : memref<10240xf32, #tpu.memory_space<vmem_shared>>)
        tpu.yield
      }) : () -> ()
      %add3A_189 = arith.constant 2 : i32
      %add3A_190 = arith.addi %mul3A_174, %add3A_189 : i32
      %mul3A_191 = arith.constant 80 : i32
      %mul3A_192 = arith.muli %add3A_190, %mul3A_191 : i32
      %add3A_193 = arith.addi %mul3A_2, %mul3A_192 : i32
      %min3A_194 = arith.constant 319920 : i32
      %min3A_195 = arith.minsi %add3A_193, %min3A_194 : i32
      %dma_start3A_196 = tpu.memref_slice %arg3[%min3A_195] : memref<320000xi32, #tpu.memory_space<hbm>> -> memref<80xi32, #tpu.memory_space<hbm>>
      %dma_start3A_197 = tpu.memref_slice %arg3[%min3A_195] : memref<320000xi32, #tpu.memory_space<hbm>> -> memref<80xi32, #tpu.memory_space<hbm>>
      tpu.enqueue_dma source(%dma_start3A_197 : memref<80xi32, #tpu.memory_space<hbm>>) target(%arg9 : memref<80xi32, #tpu.memory_space<vmem>>) target_semaphore(%arg19 : memref<!tpu.dma_semaphore, #tpu.memory_space<semaphore_mem>>)
      %dma_start3A_198 = tpu.memref_slice %arg4[%min3A_195] : memref<320000xi32, #tpu.memory_space<hbm>> -> memref<80xi32, #tpu.memory_space<hbm>>
      %dma_start3A_199 = tpu.memref_slice %arg4[%min3A_195] : memref<320000xi32, #tpu.memory_space<hbm>> -> memref<80xi32, #tpu.memory_space<hbm>>
      tpu.enqueue_dma source(%dma_start3A_199 : memref<80xi32, #tpu.memory_space<hbm>>) target(%arg10 : memref<80xi32, #tpu.memory_space<vmem>>) target_semaphore(%arg19 : memref<!tpu.dma_semaphore, #tpu.memory_space<semaphore_mem>>)
      %dma_wait3A_200 = arith.constant 0 : i32
      %dma_wait3A_201 = tpu.memref_slice %arg3[%dma_wait3A_200] : memref<320000xi32, #tpu.memory_space<hbm>> -> memref<80xi32, #tpu.memory_space<hbm>>
      %dma_wait3A_202 = arith.constant 0 : i32
      %dma_wait3A_203 = tpu.memref_slice %arg3[%dma_wait3A_202] : memref<320000xi32, #tpu.memory_space<hbm>> -> memref<80xi32, #tpu.memory_space<hbm>>
      tpu.wait_dma2 semaphore(%arg19 : memref<!tpu.dma_semaphore, #tpu.memory_space<semaphore_mem>>) src(%dma_wait3A_203 : memref<80xi32, #tpu.memory_space<hbm>>) dst(%arg9 : memref<80xi32, #tpu.memory_space<vmem>>)
      %dma_wait3A_204 = arith.constant 0 : i32
      %dma_wait3A_205 = tpu.memref_slice %arg4[%dma_wait3A_204] : memref<320000xi32, #tpu.memory_space<hbm>> -> memref<80xi32, #tpu.memory_space<hbm>>
      %dma_wait3A_206 = arith.constant 0 : i32
      %dma_wait3A_207 = tpu.memref_slice %arg4[%dma_wait3A_206] : memref<320000xi32, #tpu.memory_space<hbm>> -> memref<80xi32, #tpu.memory_space<hbm>>
      tpu.wait_dma2 semaphore(%arg19 : memref<!tpu.dma_semaphore, #tpu.memory_space<semaphore_mem>>) src(%dma_wait3A_207 : memref<80xi32, #tpu.memory_space<hbm>>) dst(%arg10 : memref<80xi32, #tpu.memory_space<vmem>>)
      %dma_start3A_208 = arith.constant 0 : i32
      %dma_start3A_209 = arith.constant 0 : i32
      %dma_start3A_210 = tpu.memref_slice %arg2[%dma_start3A_208, %dma_start3A_209] : memref<10000x128xf32, #tpu.memory_space<hbm>> -> memref<10000x128xf32, #tpu.memory_space<hbm>>
      tpu.enqueue_indirect_dma source(%dma_start3A_210 : memref<10000x128xf32, #tpu.memory_space<hbm>>) target(%arg11 : memref<80x128xf32, #tpu.memory_space<vmem>>) offsets(%arg9 : memref<80xi32, #tpu.memory_space<vmem>>) semaphore(%arg21 : memref<!tpu.dma_semaphore, #tpu.memory_space<semaphore_mem>>)
      %dma_wait3A_211 = arith.constant 0 : i32
      %dma_wait3A_212 = arith.constant 0 : i32
      %dma_wait3A_213 = tpu.memref_slice %arg2[%dma_wait3A_211, %dma_wait3A_212] : memref<10000x128xf32, #tpu.memory_space<hbm>> -> memref<10000x128xf32, #tpu.memory_space<hbm>>
      tpu.wait_indirect_dma semaphore(%arg22 : memref<!tpu.dma_semaphore, #tpu.memory_space<semaphore_mem>>) src(%dma_wait3A_213 : memref<10000x128xf32, #tpu.memory_space<hbm>>) dst(%arg14 : memref<80x128xf32, #tpu.memory_space<vmem>>)
      "tpu.region"() ({
        %run_scoped3A = tpu.sem_alloc : memref<!tpu.dma_semaphore, #tpu.memory_space<semaphore_mem>>
        %dma_start3A_226 = arith.constant 0 : i32
        %dma_start3A_227 = arith.constant 0 : i32
        %dma_start3A_228 = tpu.memref_slice %arg17[%dma_start3A_226, %dma_start3A_227] : memref<10240x128xf32, #tpu.memory_space<vmem_shared>> -> memref<10240x128xf32, #tpu.memory_space<vmem_shared>>
        tpu.enqueue_indirect_dma source(%arg14 : memref<80x128xf32, #tpu.memory_space<vmem>>) target(%dma_start3A_228 : memref<10240x128xf32, #tpu.memory_space<vmem_shared>>) offsets(%arg13 : memref<80xi32, #tpu.memory_space<vmem>>) semaphore(%run_scoped3A : memref<!tpu.dma_semaphore, #tpu.memory_space<semaphore_mem>>) {add = true}
        %dma_wait3A_229 = arith.constant 0 : i32
        %dma_wait3A_230 = arith.constant 0 : i32
        %dma_wait3A_231 = tpu.memref_slice %arg17[%dma_wait3A_229, %dma_wait3A_230] : memref<10240x128xf32, #tpu.memory_space<vmem_shared>> -> memref<10240x128xf32, #tpu.memory_space<vmem_shared>>
        tpu.wait_indirect_dma semaphore(%run_scoped3A : memref<!tpu.dma_semaphore, #tpu.memory_space<semaphore_mem>>) src(%arg14 : memref<80x128xf32, #tpu.memory_space<vmem>>) dst(%dma_wait3A_231 : memref<10240x128xf32, #tpu.memory_space<vmem_shared>>)
        tpu.yield
      }) : () -> ()
      "tpu.region"() ({
        %run_scoped3A = tpu.sem_alloc : memref<!tpu.dma_semaphore, #tpu.memory_space<semaphore_mem>>
        %dma_start3A_226 = arith.constant 0 : i32
        %dma_start3A_227 = tpu.memref_slice %arg15[%dma_start3A_226] : memref<640xf32, #tpu.memory_space<vmem>> -> memref<80xf32, #tpu.memory_space<vmem>>
        %dma_start3A_228 = arith.constant 0 : i32
        %dma_start3A_229 = tpu.memref_slice %arg18[%dma_start3A_228] : memref<10240xf32, #tpu.memory_space<vmem_shared>> -> memref<10240xf32, #tpu.memory_space<vmem_shared>>
        tpu.enqueue_indirect_dma source(%dma_start3A_227 : memref<80xf32, #tpu.memory_space<vmem>>) target(%dma_start3A_229 : memref<10240xf32, #tpu.memory_space<vmem_shared>>) offsets(%arg13 : memref<80xi32, #tpu.memory_space<vmem>>) semaphore(%run_scoped3A : memref<!tpu.dma_semaphore, #tpu.memory_space<semaphore_mem>>) {add = true}
        %dma_wait3A_230 = arith.constant 0 : i32
        %dma_wait3A_231 = tpu.memref_slice %arg15[%dma_wait3A_230] : memref<640xf32, #tpu.memory_space<vmem>> -> memref<80xf32, #tpu.memory_space<vmem>>
        %dma_wait3A_232 = arith.constant 0 : i32
        %dma_wait3A_233 = tpu.memref_slice %arg18[%dma_wait3A_232] : memref<10240xf32, #tpu.memory_space<vmem_shared>> -> memref<10240xf32, #tpu.memory_space<vmem_shared>>
        tpu.wait_indirect_dma semaphore(%run_scoped3A : memref<!tpu.dma_semaphore, #tpu.memory_space<semaphore_mem>>) src(%dma_wait3A_231 : memref<80xf32, #tpu.memory_space<vmem>>) dst(%dma_wait3A_233 : memref<10240xf32, #tpu.memory_space<vmem_shared>>)
        tpu.yield
      }) : () -> ()
      %add3A_214 = arith.constant 3 : i32
      %add3A_215 = arith.addi %mul3A_174, %add3A_214 : i32
      %mul3A_216 = arith.constant 80 : i32
      %mul3A_217 = arith.muli %add3A_215, %mul3A_216 : i32
      %add3A_218 = arith.addi %mul3A_2, %mul3A_217 : i32
      %min3A_219 = arith.constant 319920 : i32
      %min3A_220 = arith.minsi %add3A_218, %min3A_219 : i32
      %dma_start3A_221 = tpu.memref_slice %arg3[%min3A_220] : memref<320000xi32, #tpu.memory_space<hbm>> -> memref<80xi32, #tpu.memory_space<hbm>>
      %dma_start3A_222 = tpu.memref_slice %arg3[%min3A_220] : memref<320000xi32, #tpu.memory_space<hbm>> -> memref<80xi32, #tpu.memory_space<hbm>>
      tpu.enqueue_dma source(%dma_start3A_222 : memref<80xi32, #tpu.memory_space<hbm>>) target(%arg12 : memref<80xi32, #tpu.memory_space<vmem>>) target_semaphore(%arg20 : memref<!tpu.dma_semaphore, #tpu.memory_space<semaphore_mem>>)
      %dma_start3A_223 = tpu.memref_slice %arg4[%min3A_220] : memref<320000xi32, #tpu.memory_space<hbm>> -> memref<80xi32, #tpu.memory_space<hbm>>
      %dma_start3A_224 = tpu.memref_slice %arg4[%min3A_220] : memref<320000xi32, #tpu.memory_space<hbm>> -> memref<80xi32, #tpu.memory_space<hbm>>
      tpu.enqueue_dma source(%dma_start3A_224 : memref<80xi32, #tpu.memory_space<hbm>>) target(%arg13 : memref<80xi32, #tpu.memory_space<vmem>>) target_semaphore(%arg20 : memref<!tpu.dma_semaphore, #tpu.memory_space<semaphore_mem>>)
      %scan3A_225 = arith.constant 0 : i32
      scf.yield %scan3A_225 : i32
    }
    %scan3A_151 = arith.constant 62 : i32
    %dma_wait3A_152 = arith.constant 0 : i32
    %dma_wait3A_153 = arith.constant 0 : i32
    %dma_wait3A_154 = tpu.memref_slice %arg2[%dma_wait3A_152, %dma_wait3A_153] : memref<10000x128xf32, #tpu.memory_space<hbm>> -> memref<10000x128xf32, #tpu.memory_space<hbm>>
    tpu.wait_indirect_dma semaphore(%arg21 : memref<!tpu.dma_semaphore, #tpu.memory_space<semaphore_mem>>) src(%dma_wait3A_154 : memref<10000x128xf32, #tpu.memory_space<hbm>>) dst(%arg11 : memref<80x128xf32, #tpu.memory_space<vmem>>)
    "tpu.region"() ({
      %run_scoped3A = tpu.sem_alloc : memref<!tpu.dma_semaphore, #tpu.memory_space<semaphore_mem>>
      %dma_start3A_171 = arith.constant 0 : i32
      %dma_start3A_172 = arith.constant 0 : i32
      %dma_start3A_173 = tpu.memref_slice %arg17[%dma_start3A_171, %dma_start3A_172] : memref<10240x128xf32, #tpu.memory_space<vmem_shared>> -> memref<10240x128xf32, #tpu.memory_space<vmem_shared>>
      tpu.enqueue_indirect_dma source(%arg11 : memref<80x128xf32, #tpu.memory_space<vmem>>) target(%dma_start3A_173 : memref<10240x128xf32, #tpu.memory_space<vmem_shared>>) offsets(%arg10 : memref<80xi32, #tpu.memory_space<vmem>>) semaphore(%run_scoped3A : memref<!tpu.dma_semaphore, #tpu.memory_space<semaphore_mem>>) {add = true}
      %dma_wait3A_174 = arith.constant 0 : i32
      %dma_wait3A_175 = arith.constant 0 : i32
      %dma_wait3A_176 = tpu.memref_slice %arg17[%dma_wait3A_174, %dma_wait3A_175] : memref<10240x128xf32, #tpu.memory_space<vmem_shared>> -> memref<10240x128xf32, #tpu.memory_space<vmem_shared>>
      tpu.wait_indirect_dma semaphore(%run_scoped3A : memref<!tpu.dma_semaphore, #tpu.memory_space<semaphore_mem>>) src(%arg11 : memref<80x128xf32, #tpu.memory_space<vmem>>) dst(%dma_wait3A_176 : memref<10240x128xf32, #tpu.memory_space<vmem_shared>>)
      tpu.yield
    }) : () -> ()
    "tpu.region"() ({
      %run_scoped3A = tpu.sem_alloc : memref<!tpu.dma_semaphore, #tpu.memory_space<semaphore_mem>>
      %dma_start3A_171 = arith.constant 0 : i32
      %dma_start3A_172 = tpu.memref_slice %arg15[%dma_start3A_171] : memref<640xf32, #tpu.memory_space<vmem>> -> memref<80xf32, #tpu.memory_space<vmem>>
      %dma_start3A_173 = arith.constant 0 : i32
      %dma_start3A_174 = tpu.memref_slice %arg18[%dma_start3A_173] : memref<10240xf32, #tpu.memory_space<vmem_shared>> -> memref<10240xf32, #tpu.memory_space<vmem_shared>>
      tpu.enqueue_indirect_dma source(%dma_start3A_172 : memref<80xf32, #tpu.memory_space<vmem>>) target(%dma_start3A_174 : memref<10240xf32, #tpu.memory_space<vmem_shared>>) offsets(%arg10 : memref<80xi32, #tpu.memory_space<vmem>>) semaphore(%run_scoped3A : memref<!tpu.dma_semaphore, #tpu.memory_space<semaphore_mem>>) {add = true}
      %dma_wait3A_175 = arith.constant 0 : i32
      %dma_wait3A_176 = tpu.memref_slice %arg15[%dma_wait3A_175] : memref<640xf32, #tpu.memory_space<vmem>> -> memref<80xf32, #tpu.memory_space<vmem>>
      %dma_wait3A_177 = arith.constant 0 : i32
      %dma_wait3A_178 = tpu.memref_slice %arg18[%dma_wait3A_177] : memref<10240xf32, #tpu.memory_space<vmem_shared>> -> memref<10240xf32, #tpu.memory_space<vmem_shared>>
      tpu.wait_indirect_dma semaphore(%run_scoped3A : memref<!tpu.dma_semaphore, #tpu.memory_space<semaphore_mem>>) src(%dma_wait3A_176 : memref<80xf32, #tpu.memory_space<vmem>>) dst(%dma_wait3A_178 : memref<10240xf32, #tpu.memory_space<vmem_shared>>)
      tpu.yield
    }) : () -> ()
    %dma_wait3A_155 = arith.constant 0 : i32
    %dma_wait3A_156 = tpu.memref_slice %arg3[%dma_wait3A_155] : memref<320000xi32, #tpu.memory_space<hbm>> -> memref<80xi32, #tpu.memory_space<hbm>>
    %dma_wait3A_157 = arith.constant 0 : i32
    %dma_wait3A_158 = tpu.memref_slice %arg3[%dma_wait3A_157] : memref<320000xi32, #tpu.memory_space<hbm>> -> memref<80xi32, #tpu.memory_space<hbm>>
    tpu.wait_dma2 semaphore(%arg20 : memref<!tpu.dma_semaphore, #tpu.memory_space<semaphore_mem>>) src(%dma_wait3A_158 : memref<80xi32, #tpu.memory_space<hbm>>) dst(%arg12 : memref<80xi32, #tpu.memory_space<vmem>>)
    %dma_wait3A_159 = arith.constant 0 : i32
    %dma_wait3A_160 = tpu.memref_slice %arg4[%dma_wait3A_159] : memref<320000xi32, #tpu.memory_space<hbm>> -> memref<80xi32, #tpu.memory_space<hbm>>
    %dma_wait3A_161 = arith.constant 0 : i32
    %dma_wait3A_162 = tpu.memref_slice %arg4[%dma_wait3A_161] : memref<320000xi32, #tpu.memory_space<hbm>> -> memref<80xi32, #tpu.memory_space<hbm>>
    tpu.wait_dma2 semaphore(%arg20 : memref<!tpu.dma_semaphore, #tpu.memory_space<semaphore_mem>>) src(%dma_wait3A_162 : memref<80xi32, #tpu.memory_space<hbm>>) dst(%arg13 : memref<80xi32, #tpu.memory_space<vmem>>)
    %barrier3A_163 = arith.constant 0 : index
    tpu.barrier barrier_id(%barrier3A_163)
    %eq3A = arith.constant 0 : i32
    %eq3A_164 = arith.cmpi eq, %arg0, %eq3A : i32
    %convert_element_type3A = arith.extui %eq3A_164 : i1 to i32
    %cond3A = arith.constant 0 : i32
    %cond3A_165 = arith.cmpi ne, %convert_element_type3A, %cond3A : i32
    scf.if %cond3A_165 {
      %dma_start3A_171 = arith.constant 0 : i32
      %dma_start3A_172 = tpu.memref_slice %arg5[%mul3A_34, %dma_start3A_171] : memref<10240x128xf32, #tpu.memory_space<hbm>> -> memref<640x128xf32, #tpu.memory_space<hbm>>
      %dma_start3A_173 = arith.constant 0 : i32
      %dma_start3A_174 = tpu.memref_slice %arg17[%mul3A_34, %dma_start3A_173] : memref<10240x128xf32, #tpu.memory_space<vmem_shared>> -> memref<640x128xf32, #tpu.memory_space<vmem_shared>>
      tpu.enqueue_dma source(%dma_start3A_174 : memref<640x128xf32, #tpu.memory_space<vmem_shared>>) target(%dma_start3A_172 : memref<640x128xf32, #tpu.memory_space<hbm>>) target_semaphore(%arg21 : memref<!tpu.dma_semaphore, #tpu.memory_space<semaphore_mem>>)
      %dma_start3A_175 = tpu.memref_slice %arg7[%mul3A_34] : memref<10240xf32, #tpu.memory_space<hbm>> -> memref<640xf32, #tpu.memory_space<hbm>>
      %dma_start3A_176 = tpu.memref_slice %arg18[%mul3A_34] : memref<10240xf32, #tpu.memory_space<vmem_shared>> -> memref<640xf32, #tpu.memory_space<vmem_shared>>
      tpu.enqueue_dma source(%dma_start3A_176 : memref<640xf32, #tpu.memory_space<vmem_shared>>) target(%dma_start3A_175 : memref<640xf32, #tpu.memory_space<hbm>>) target_semaphore(%arg22 : memref<!tpu.dma_semaphore, #tpu.memory_space<semaphore_mem>>)
      %dma_wait3A_177 = arith.constant 0 : i32
      %dma_wait3A_178 = tpu.memref_slice %arg5[%mul3A_34, %dma_wait3A_177] : memref<10240x128xf32, #tpu.memory_space<hbm>> -> memref<640x128xf32, #tpu.memory_space<hbm>>
      %dma_wait3A_179 = arith.constant 0 : i32
      %dma_wait3A_180 = tpu.memref_slice %arg17[%mul3A_34, %dma_wait3A_179] : memref<10240x128xf32, #tpu.memory_space<vmem_shared>> -> memref<640x128xf32, #tpu.memory_space<vmem_shared>>
      tpu.wait_dma2 semaphore(%arg21 : memref<!tpu.dma_semaphore, #tpu.memory_space<semaphore_mem>>) src(%dma_wait3A_180 : memref<640x128xf32, #tpu.memory_space<vmem_shared>>) dst(%dma_wait3A_178 : memref<640x128xf32, #tpu.memory_space<hbm>>)
      %dma_wait3A_181 = tpu.memref_slice %arg7[%mul3A_34] : memref<10240xf32, #tpu.memory_space<hbm>> -> memref<640xf32, #tpu.memory_space<hbm>>
      %dma_wait3A_182 = tpu.memref_slice %arg18[%mul3A_34] : memref<10240xf32, #tpu.memory_space<vmem_shared>> -> memref<640xf32, #tpu.memory_space<vmem_shared>>
      tpu.wait_dma2 semaphore(%arg22 : memref<!tpu.dma_semaphore, #tpu.memory_space<semaphore_mem>>) src(%dma_wait3A_182 : memref<640xf32, #tpu.memory_space<vmem_shared>>) dst(%dma_wait3A_181 : memref<640xf32, #tpu.memory_space<hbm>>)
    } else {
    }
    %eq3A_166 = arith.constant 1 : i32
    %eq3A_167 = arith.cmpi eq, %arg0, %eq3A_166 : i32
    %convert_element_type3A_168 = arith.extui %eq3A_167 : i1 to i32
    %cond3A_169 = arith.constant 0 : i32
    %cond3A_170 = arith.cmpi ne, %convert_element_type3A_168, %cond3A_169 : i32
    scf.if %cond3A_170 {
      %dma_start3A_171 = arith.constant 0 : i32
      %dma_start3A_172 = tpu.memref_slice %arg6[%mul3A_34, %dma_start3A_171] : memref<10240x128xf32, #tpu.memory_space<hbm>> -> memref<640x128xf32, #tpu.memory_space<hbm>>
      %dma_start3A_173 = arith.constant 0 : i32
      %dma_start3A_174 = tpu.memref_slice %arg17[%mul3A_34, %dma_start3A_173] : memref<10240x128xf32, #tpu.memory_space<vmem_shared>> -> memref<640x128xf32, #tpu.memory_space<vmem_shared>>
      tpu.enqueue_dma source(%dma_start3A_174 : memref<640x128xf32, #tpu.memory_space<vmem_shared>>) target(%dma_start3A_172 : memref<640x128xf32, #tpu.memory_space<hbm>>) target_semaphore(%arg21 : memref<!tpu.dma_semaphore, #tpu.memory_space<semaphore_mem>>)
      %dma_start3A_175 = tpu.memref_slice %arg8[%mul3A_34] : memref<10240xf32, #tpu.memory_space<hbm>> -> memref<640xf32, #tpu.memory_space<hbm>>
      %dma_start3A_176 = tpu.memref_slice %arg18[%mul3A_34] : memref<10240xf32, #tpu.memory_space<vmem_shared>> -> memref<640xf32, #tpu.memory_space<vmem_shared>>
      tpu.enqueue_dma source(%dma_start3A_176 : memref<640xf32, #tpu.memory_space<vmem_shared>>) target(%dma_start3A_175 : memref<640xf32, #tpu.memory_space<hbm>>) target_semaphore(%arg22 : memref<!tpu.dma_semaphore, #tpu.memory_space<semaphore_mem>>)
      %dma_wait3A_177 = arith.constant 0 : i32
      %dma_wait3A_178 = tpu.memref_slice %arg6[%mul3A_34, %dma_wait3A_177] : memref<10240x128xf32, #tpu.memory_space<hbm>> -> memref<640x128xf32, #tpu.memory_space<hbm>>
      %dma_wait3A_179 = arith.constant 0 : i32
      %dma_wait3A_180 = tpu.memref_slice %arg17[%mul3A_34, %dma_wait3A_179] : memref<10240x128xf32, #tpu.memory_space<vmem_shared>> -> memref<640x128xf32, #tpu.memory_space<vmem_shared>>
      tpu.wait_dma2 semaphore(%arg21 : memref<!tpu.dma_semaphore, #tpu.memory_space<semaphore_mem>>) src(%dma_wait3A_180 : memref<640x128xf32, #tpu.memory_space<vmem_shared>>) dst(%dma_wait3A_178 : memref<640x128xf32, #tpu.memory_space<hbm>>)
      %dma_wait3A_181 = tpu.memref_slice %arg8[%mul3A_34] : memref<10240xf32, #tpu.memory_space<hbm>> -> memref<640xf32, #tpu.memory_space<hbm>>
      %dma_wait3A_182 = tpu.memref_slice %arg18[%mul3A_34] : memref<10240xf32, #tpu.memory_space<vmem_shared>> -> memref<640xf32, #tpu.memory_space<vmem_shared>>
      tpu.wait_dma2 semaphore(%arg22 : memref<!tpu.dma_semaphore, #tpu.memory_space<semaphore_mem>>) src(%dma_wait3A_182 : memref<640xf32, #tpu.memory_space<vmem_shared>>) dst(%dma_wait3A_181 : memref<640xf32, #tpu.memory_space<hbm>>)
    } else {
    }
    return
  }
}

module attributes {stable_mosaic.version = 14 : i64} {
  func.func @_combine_body(%arg0: i32, %arg1: memref<1000x128xf32, #tpu.memory_space<vmem>>, %arg2: memref<1000x128xf32, #tpu.memory_space<vmem>>, %arg3: memref<1000x1xf32, #tpu.memory_space<vmem>>, %arg4: memref<1000x1xf32, #tpu.memory_space<vmem>>, %arg5: memref<1000x128xf32, #tpu.memory_space<vmem>>) attributes {dimension_semantics = [#tpu.dimension_semantics<arbitrary>], iteration_bounds = array<i64: 10>, scalar_prefetch = 0 : i64, scratch_operands = 0 : i64, tpu.core_type = #tpu.core_type<tc>, window_params = [{transform_indices = @transform_0, window_bounds = array<i64: 1000, 128>}, {transform_indices = @transform_1, window_bounds = array<i64: 1000, 128>}, {transform_indices = @transform_2, window_bounds = array<i64: 1000, 1>}, {transform_indices = @transform_3, window_bounds = array<i64: 1000, 1>}, {transform_indices = @transform_4, window_bounds = array<i64: 1000, 128>}]} {
    %get3A = arith.constant 0 : index
    %get3A_0 = arith.constant 0 : index
    %get3A_1 = vector.load %arg1[%get3A, %get3A_0] : memref<1000x128xf32, #tpu.memory_space<vmem>>, vector<1000x128xf32>
    %get3A_2 = arith.constant 0 : index
    %get3A_3 = arith.constant 0 : index
    %get3A_4 = vector.load %arg2[%get3A_2, %get3A_3] : memref<1000x128xf32, #tpu.memory_space<vmem>>, vector<1000x128xf32>
    %add3A = arith.addf %get3A_1, %get3A_4 : vector<1000x128xf32>
    %get3A_5 = arith.constant 0 : index
    %get3A_6 = arith.constant 0 : index
    %get3A_7 = vector.load %arg3[%get3A_5, %get3A_6] : memref<1000x1xf32, #tpu.memory_space<vmem>>, vector<1000x1xf32>
    %get3A_8 = arith.constant 0 : index
    %get3A_9 = arith.constant 0 : index
    %get3A_10 = vector.load %arg4[%get3A_8, %get3A_9] : memref<1000x1xf32, #tpu.memory_space<vmem>>, vector<1000x1xf32>
    %add3A_11 = arith.addf %get3A_7, %get3A_10 : vector<1000x1xf32>
    %max3A = arith.constant 1.000000e+00 : f32
    %max3A_12 = vector.broadcast %max3A : f32 to vector<1000x1xf32>
    %max3A_13 = arith.maximumf %add3A_11, %max3A_12 : vector<1000x1xf32>
    %div3A = vector.broadcast %max3A_13 : vector<1000x1xf32> to vector<1000x128xf32>
    %div3A_14 = arith.divf %add3A, %div3A : vector<1000x128xf32>
    %swap3A = arith.constant 0 : index
    %swap3A_15 = arith.constant 0 : index
    %swap3A_16 = vector.load %arg5[%swap3A, %swap3A_15] : memref<1000x128xf32, #tpu.memory_space<vmem>>, vector<1000x128xf32>
    tpu.vector_store %arg5[%swap3A, %swap3A_15], %div3A_14 {strides = array<i32>} : memref<1000x128xf32, #tpu.memory_space<vmem>>, vector<1000x128xf32>,
    return
  }
  func.func @transform_0(%arg0: i32) -> (i32, i32) {
    %c0_i32 = arith.constant 0 : i32
    %c0_i32_0 = arith.constant 0 : i32
    return %arg0, %c0_i32 : i32, i32
  }
  func.func @transform_1(%arg0: i32) -> (i32, i32) {
    %c0_i32 = arith.constant 0 : i32
    %c0_i32_0 = arith.constant 0 : i32
    return %arg0, %c0_i32 : i32, i32
  }
  func.func @transform_2(%arg0: i32) -> (i32, i32) {
    %c0_i32 = arith.constant 0 : i32
    %c0_i32_0 = arith.constant 0 : i32
    return %arg0, %c0_i32 : i32, i32
  }
  func.func @transform_3(%arg0: i32) -> (i32, i32) {
    %c0_i32 = arith.constant 0 : i32
    %c0_i32_0 = arith.constant 0 : i32
    return %arg0, %c0_i32 : i32, i32
  }
  func.func @transform_4(%arg0: i32) -> (i32, i32) {
    %c0_i32 = arith.constant 0 : i32
    %c0_i32_0 = arith.constant 0 : i32
    return %arg0, %c0_i32 : i32, i32
  }
}

</mosaic_0001>

<sc_bundles>
// kernel: kernel.4.cloned.1.call-start
scs
__scs_entry_jumppad:
0x0: {  	(pc) =	sbr.rel $0x88, $3  }
0x1: {  	(tag) =	ssettag $0x0;
	lr =	simm.s32 $0x1  }
0x2: {  	[smem:$0x3F9F] =	sst lr;
	_ =	strace $0xD0000000  }
0x3: {  	_ = 	snop  }
0x4: {  	_ = 	snop  }
0x5: {  	_ = 	snop  }
0x6: {  	_ = 	snop  }
0x7: {  	_ = 	snop  }
__scs_overlays_trampoline_lowered:
0x8: {  	[smem:$0x3FAE] =	sst s0  }
0x9: {  	[smem:$0x3FAF] =	sst s1  }
0xa: {  	[smem:$0x3FB0] =	sst s2  }
0xb: {  	[smem:$0x3FB1] =	sst s3  }
0xc: {  	[smem:$0x3FB2] =	sst s4  }
0xd: {  	[smem:$0x3FB3] =	sst s5  }
0xe: {  	[smem:$0x3FB4] =	sst s6  }
0xf: {  	[smem:$0x3FB5] =	sst s7  }
0x10: {  	[smem:$0x3FB6] =	sst s8  }
0x11: {  	[smem:$0x3FB7] =	sst s9;
	s0 =	simm.s32 @!p0 $0x0  }
0x12: {  	s1 =	sld [smem:$0x3F9D];
	s0 =	simm.s32 @p0 $0x1  }
0x13: {  	[smem:$0x3FB8] =	sst s0;
	s0 =	simm.s32 @!p1 $0x0  }
0x14: {  	s2 =	sld [smem:$0x3F9C];
	s0 =	simm.s32 @p1 $0x1  }
0x15: {  	[smem:$0x3FB9] =	sst s0;
	s0 =	simm.s32 @!p2 $0x0  }
0x16: {  	s3 =	sld [smem:$0x3FDB];
	s0 =	simm.s32 @p2 $0x1  }
0x17: {  	s4 =	simm.s32 $0x1BF5;
	[smem:$0x3FBB] =	sst s0  }
0x18: {  	s0 =	sld [smem:$0x3F9E];
	_ =	swait.ge [sflag:s4], $0x0  }
0x19: {  	s7 =	sld [smem:$0x3F9F]  }
0x1a: {  	s8 =	sadd.s32 $0xFFFFE003, lr  }
0x1b: {  	s9 =	sadd.s32 $0xFFFFFEF7, lr;
	s5 =	simm.s32 $0xFFFFFFFF;
	p2 =	slt.u32 s8, $0xFFFFF086  }
0x1c: {  	p1 =	slt.u32 s9, $0xF7A;
	s5 =	simm.s32 @!p2 $0x0  }
0x1d: {  	s5 =	simm.s32 @p1 $0x1;
	p0 =	seq.s32 s7, s2  }
0x1e: {  	s7 =	smul.u32 @!p0 $0xF7A, s2;
	p2 =	seq.s32 @!p0 s5, $0x0  }
0x1f: {  	s9 =	smul.u32 $0xF7A, s1;
	s8 =	simm.s32 @!p0 $0x1BF5;
	p2 =	por !p2, p0  }
0x20: {  	[sflag:s8] =	ssyncset.s32 @!p0 $0xFFFFF086;
	s6 =	sadd.s32 @!p0 s3, s7;
	s7 =	simm.s32 @!p0 $0x108  }
0x21: {  	s3 =	sadd.s32 s3, s9;
	s6 =	sadd.s32 @!p0 $0x88, s6;
	s7 =	simm.s32 @p2 $0x1082  }
0x22: {  	[simem:s7], [sflag:s8] =	dma.local @!p0 [hbm:s6], $0xF7A  }
0x23: {  	s9 =	sor.u32 $0xD0000000, s2;
	s6 =	simm.s32 $0x108;
	_ =	swait.ge @!p0 [sflag:s8], $0x0  }
0x24: {  	s3 =	sadd.s32 $0x88, s3;
	s6 =	simm.s32 @!p1 $0x1082;
	[sflag:s4] =	ssyncset.s32 $0xFFFFF086  }
0x25: {  	[simem:s6], [sflag:s4] =	dma.local [hbm:s3], $0xF7A  }
0x26: {  	[smem:$0x3F9F] =	sst s1;
	(tag) =	ssettag s2;
	_ =	strace s9  }
0x27: {  	s1 =	sld [smem:$0x3FAF]  }
0x28: {  	s2 =	sld [smem:$0x3FB0]  }
0x29: {  	s4 =	sld [smem:$0x3FB2]  }
0x2a: {  	p0 =	seq.s32 s5, $0x0;
	s5 =	sld [smem:$0x3FB3]  }
0x2b: {  	s6 =	sld [smem:$0x3FB4]  }
0x2c: {  	s7 =	sld [smem:$0x3FB5]  }
0x2d: {  	s3 =	simm.s32 $0x108;
	s8 =	sld [smem:$0x3FB6]  }
0x2e: {  	s3 =	simm.s32 @!p0 $0x1082;
	s9 =	sld [smem:$0x3FB7]  }
0x2f: {  	lr =	sadd.s32 s0, s3;
	s0 =	sld [smem:$0x3FAE]  }
0x30: {  	s3 =	sld [smem:$0x3FB1]  }
0x31: {  	[smem:$0x3FBA] =	sst s10  }
0x32: {  	s10 =	sld [smem:$0x3FB8];
	_ =	sdelay $0x3  }
0x33: {  	p0 =	seq.s32 s10, $0x1;
	s10 =	sld [smem:$0x3FBA];
	_ =	sdelay $0x3  }
0x34: {  	[smem:$0x3FBA] =	sst s10  }
0x35: {  	s10 =	sld [smem:$0x3FB9];
	_ =	sdelay $0x3  }
0x36: {  	p1 =	seq.s32 s10, $0x1;
	s10 =	sld [smem:$0x3FBA];
	_ =	sdelay $0x3  }
0x37: {  	[smem:$0x3FBA] =	sst s10  }
0x38: {  	s10 =	sld [smem:$0x3FBB]  }
0x39: {  	_ = 	snop;
	(pc) =	sbr.ind lr, $3  }
0x3a: {  	_ = 	snop  }
0x3b: {  	_ = 	snop  }
0x3c: {  	p2 =	seq.s32 s10, $0x1;
	s10 =	sld [smem:$0x3FBA]  }
0x3d: {  	_ =	shalt  }
0x3e: {  	_ =	shalt  }
0x3f: {  	_ =	shalt  }
0x40: {  	_ =	shalt  }
0x41: {  	_ =	shalt  }
0x42: {  	_ =	shalt  }
0x43: {  	_ =	shalt  }
0x44: {  	_ =	shalt  }
0x45: {  	_ =	shalt  }
0x46: {  	_ =	shalt  }
0x47: {  	_ =	shalt  }
0x48: {  	_ =	shalt  }
0x49: {  	_ =	shalt  }
0x4a: {  	_ =	shalt  }
0x4b: {  	_ =	shalt  }
0x4c: {  	_ =	shalt  }
0x4d: {  	_ =	shalt  }
0x4e: {  	_ =	shalt  }
0x4f: {  	_ =	shalt  }
0x50: {  	_ =	shalt  }
0x51: {  	_ =	shalt  }
0x52: {  	_ =	shalt  }
0x53: {  	_ =	shalt  }
0x54: {  	_ =	shalt  }
0x55: {  	_ =	shalt  }
0x56: {  	_ =	shalt  }
0x57: {  	_ =	shalt  }
0x58: {  	_ =	shalt  }
0x59: {  	_ =	shalt  }
0x5a: {  	_ =	shalt  }
0x5b: {  	_ =	shalt  }
0x5c: {  	_ =	shalt  }
0x5d: {  	_ =	shalt  }
0x5e: {  	_ =	shalt  }
0x5f: {  	_ =	shalt  }
0x60: {  	_ =	shalt  }
0x61: {  	_ =	shalt  }
0x62: {  	_ =	shalt  }
0x63: {  	_ =	shalt  }
0x64: {  	_ =	shalt  }
0x65: {  	_ =	shalt  }
0x66: {  	_ =	shalt  }
0x67: {  	_ =	shalt  }
0x68: {  	_ =	shalt  }
0x69: {  	_ =	shalt  }
0x6a: {  	_ =	shalt  }
0x6b: {  	_ =	shalt  }
0x6c: {  	_ =	shalt  }
0x6d: {  	_ =	shalt  }
0x6e: {  	_ =	shalt  }
0x6f: {  	_ =	shalt  }
0x70: {  	_ =	shalt  }
0x71: {  	_ =	shalt  }
0x72: {  	_ =	shalt  }
0x73: {  	_ =	shalt  }
0x74: {  	_ =	shalt  }
0x75: {  	_ =	shalt  }
0x76: {  	_ =	shalt  }
0x77: {  	_ =	shalt  }
0x78: {  	_ =	shalt  }
0x79: {  	_ =	shalt  }
0x7a: {  	_ =	shalt  }
0x7b: {  	_ =	shalt  }
0x7c: {  	_ =	shalt  }
0x7d: {  	_ =	shalt  }
0x7e: {  	_ =	shalt  }
0x7f: {  	_ =	shalt  }
0x80: {  	_ =	shalt  }
0x81: {  	_ =	shalt  }
0x82: {  	_ =	shalt  }
0x83: {  	_ =	shalt  }
0x84: {  	_ =	shalt  }
0x85: {  	_ =	shalt  }
0x86: {  	_ =	shalt  }
0x87: {  	_ =	shalt  }
.Lfunc_end0:
.L_simem_size_0:
called_computation_lowered:
.L_overlay_start_0:
0x88: {  	s2 =	sld [smem:$0x3FD9]  }
0x89: {  	s3 =	sld [smem:$0x3FFE];
	_ =	sdelay $0x1  }
0x8a: {  	s1 =	srdreg.scid  }
0x8b: {  	s0 =	sand.u32 $0x1, s1  }
0x8c: {  	s17 =	sshll.u32 s0, $0xA;
	s2 =	sadd.s32 s3, s2  }
0x8d: {  	s2 =	sadd.s32 s2, s17  }
0x8e: {  	[smem:$0x3FC6] =	sst s2  }
0x8f: {  	_ = 	snop  }
0x90: {  	s2 =	sld [smem:$0x3FC9]  }
0x91: {  	s18 =	sld [smem:$0x3FD0];
	(tm) =	ssettm $0x1  }
0x92: {  	s4 =	sld [smem:$0x3FFB];
	_ =	sdelay $0x3  }
0x93: {  	_ =	strace s4  }
0x94: {  	s4 =	sld [smem:$0x3FFC];
	_ =	sdelay $0x3  }
0x95: {  	_ =	strace s4  }
0x96: {  	s4 =	sld [smem:$0x3FFD];
	_ =	sdelay $0x3  }
0x97: {  	_ =	strace s4  }
0x98: {  	_ =	strace $0x8FFFFFFF  }
0x99: {  	s19 =	sld [smem:$0x3FDB];
	_ =	sdelay $0x1  }
0x9a: {  	s5 =	simm.s32 $_scs_section_size  }
0x9b: {  	s6 =	simm.s32 $_size__tile_overlayer_lowered;
	s7 =	simm.s32 $_tile_overlayer_lowered  }
0x9c: {  	s22 =	simm.s32 $0x1BFF;
	s21 =	sshll.u32 s7, $0x1;
	s4 =	sadd.s32 s5, s19  }
0x9d: {  	s8 =	simm.s32 $0x0;
	s20 =	sshll.u32 s6, $0x1;
	s6 =	sadd.s32 s21, s4  }
0x9e: {  	[timem:s8], [sflag:s22] =	dma.local [hbm:s6], s20  }
0x9f: {  	_ =	swait.ge [sflag:s22], s20  }
0xa0: {  	s5 =	ssub.s32 $0x0, s20;
	[sflag:s22] =	ssyncset.done $0x0  }
0xa1: {  	[sflag:s22] =	ssyncadd.s32 s5;
	_ =	sdelay $0x1  }
0xa2: {  	s23 =	simm.s32 $0x1B8B  }
0xa3: {  	_ =	swait.ge [sflag:s23], $0x1  }
0xa4: {  	[sflag:s23] =	ssyncset.done $0x0  }
0xa5: {  	s25 =	simm.s32 $0x1B8E;
	s24 =	sld [smem:$0x3FFE];
	[sflag:s23] =	ssyncadd.s32 $0xFFFFFFFF  }
0xa6: {  	s26 =	simm.s32 $execute0_lowered;
	[smem:$0x3FD2] =	sst s25  }
0xa7: {  	s6 =	sshll.u32 s26, $0x1;
	_ =	strace $0x80000046;
	[dreg:$0x1] =	wrdreg $0xFFFFFFFF  }
0xa8: {  	s28 =	simm.s32 $_size_execute0_lowered;
	s4 =	sadd.s32 s4, s6;
	[dreg:$0x0] =	wrdreg $0x0  }
0xa9: {  	s6 =	sshll.u32 s28, $0x1;
	[dreg:$0x2] =	wrdreg s4  }
0xaa: {  	[dreg:$0x3] =	wrdreg s6  }
0xab: {  	[dreg:$0x4] =	wrdreg $0xC0  }
0xac: {  	_ =	task [dreg:s8], $0x5FFFF  }
0xad: {  	[dreg:$0x1] =	wrdreg $0xFFFFFFFF  }
0xae: {  	[dreg:$0x0] =	wrdreg $0x60  }
0xaf: {  	[dreg:$0x2] =	wrdreg s2  }
0xb0: {  	[dreg:$0x3] =	wrdreg s24  }
0xb1: {  	[dreg:$0x4] =	wrdreg s18  }
0xb2: {  	[dreg:$0x5] =	wrdreg $0x57000  }
0xb3: {  	[dreg:$0x6] =	wrdreg $0x197000  }
0xb4: {  	[dreg:$0x7] =	wrdreg $0x9  }
0xb5: {  	_ =	task.clear_ibuf [dreg:s8], $0x8FFFF;
	_ =	strace $0x90000046  }
0xb6: {  	s29 =	simm.s32 $0x9;
	_ =	strace $0x80000048  }
0xb7: {  	_ =	swait.ge [sflag:s29], $0x1  }
0xb8: {  	[sflag:s29] =	ssyncadd.s32 $0xFFFFFFFF  }
0xb9: {  	_ =	strace $0x90000048  }
0xba: {  	_ =	sfence  }
0xbb: {  	s30 =	sld [smem:$0x0];
	_ =	sdelay $0x2  }
0xbc: {  	s31 =	sshll.u32 s1, $0xD;
	s1 =	sshrl.u32 s1, $0x2  }
0xbd: {  	s3 =	sand.u32 $0x4000, s31;
	s1 =	sadd.s32 s1, s30  }
0xbe: {  	s0 =	sor.u32 s3, s0;
	s1 =	sshll.u32 s1, $0x11  }
0xbf: {  	s0 =	sor.u32 s1, s0  }
0xc0: {  	s0 =	sadd.s32 $0x8F2B, s0  }
0xc1: {  	[sflag:s0] =	ssyncadd.remote.s32 $0x1  }
0xc2: {  	_ =	sfence.sel $0xFFFF  }
0xc3: {  	[dreg:$0x0] =	wrdreg $0xFFFFFFFF;
	(pc) =	sbr.abs _section_cstart, $3  }
0xc4: {  	[dreg:$0x1] =	wrdreg $0xFFFFFFFF  }
0xc5: {  	_ =	task.clear_ibuf [dreg:s8], $0x2FFFF;
	_ =	strace $0x9FFFFFFF  }
0xc6: {  	(tm) =	ssettm $0x7FFFFFFF  }
0xc7: {  	_ =	shalt  }
tec
execute0_lowered:
.L_overlay_start_1:
0x0: {  	(tag) =	ssettag $0x1  }
0x1: {  	s1 =	rddreg [dreg:$0x0]  }
0x2: {  	s0 =	rddreg [dreg:$0x1]  }
0x3: {  	s2 =	rddreg [dreg:$0x2]  }
0x4: {  	s3 =	rddreg [dreg:$0x3]  }
0x5: {  	s5 =	rddreg [dreg:$0x4];
	s6 =	simm.s32 $0x0;
	s4 =	srdreg.scid  }
0x6: {  	s15 =	stileid.u32;
	s28 =	simm.s32 $0x2980;
	s29 =	simm.s32 $0x100  }
0x7: {  	s31 =	simm.s32 $0x3;
	s30 =	simm.s32 $0x50;
	[smem:$0x7FF] =	sst s6  }
0x8: {  	s4 =	sand.u32 $0x1, s4;
	s8 =	sshll.u32 s15, $0x1;
	s7 =	sadd.s32 $0x600, s0  }
0x9: {  	s9 =	sadd.s32 $0x33000, s0;
	s10 =	sadd.s32 $0xB000, s0;
	s14 =	smul.u32 $0x50000, s15  }
0xa: {  	s11 =	sadd.s32 $0xA400, s0;
	s17 =	smul.u32 $0x280, s15;
	s8 =	sor.u32 s4, s8  }
0xb: {  	s12 =	ssub.s32 $0x2, s4;
	p0 =	seq.s32 s4, $0x1;
	s4 =	smul.u32 $0x2710, s4  }
0xc: {  	s0 =	sadd.s32 $0xAA00, s0;
	_ =	strace $0x80000047;
	s8 =	smul.u32 $0x2710, s8  }
0xd: {  	s13 =	sshrl.u32 s12, $0x1;
	s16 =	sshrl.u32 s14, $0x2;
	s9 =	smov.u32 @p0 s10  }
0xe: {  	s11 =	smov.u32 @p0 s0;
	s0 =	simm.s32 $0x1;
	s8 =	sshrl.u32 s8, $0x3  }
0xf: {  	s10 =	simm.s32 $0x5200;
	s13 =	ssub.s32 s12, s13;
	s24 =	sadd.s32 s7, s8  }
0x10: {  	s25 =	sadd.s32 $0xA, s8;
	s8 =	sadd.s32 s2, s8;
	[dreg:$0x6] =	wrdreg s24  }
0x11: {  	[dreg:$0x7] =	wrdreg s8;
	s26 =	sadd.s32 s7, s25;
	s12 =	sadd.s32 s2, s25  }
0x12: {  	s24 =	smul.u32 $0x2800, s15;
	s25 =	sshrl.u32 s17, $0x3;
	[dreg:$0x8] =	wrdreg s26  }
0x13: {  	[dreg:$0x9] =	wrdreg s12;
	s12 =	sadd.s32 s16, s3;
	s26 =	smul.u32 $0x4E20, s15  }
0x14: {  	s20 =	sadd.s32 s11, s25;
	s25 =	simm.s32 $0x80;
	s8 =	sadd.s32 $0x2800, s12  }
0x15: {  	s11 =	simm.s32 $0x4;
	s21 =	sadd.s32 $0x5000, s12;
	[dreg:$0xa] =	wrdreg s8  }
0x16: {  	s22 =	sadd.s32 $0x7800, s12;
	s23 =	sadd.s32 $0xA000, s12;
	[dreg:$0xb] =	wrdreg s21  }
0x17: {  	s16 =	sadd.s32 $0xC800, s12;
	s18 =	sadd.s32 s9, s24;
	[dreg:$0xc] =	wrdreg s22  }
0x18: {  	s19 =	sadd.s32 $0xF000, s12;
	s9 =	simm.s32 $0x5;
	[dreg:$0xd] =	wrdreg s23  }
0x19: {  	[dreg:$0xe] =	wrdreg s16;
	s21 =	sadd.s32 $0x11800, s12;
	s22 =	sadd.s32 s17, s5  }
0x1a: {  	s23 =	smax.u32 s13, $0x1;
	s24 =	sadd.s32 s4, s26;
	s26 =	simm.s32 $0x2900  }
0x1b: {  	v0 =	vimm.f32 $0.0e+00;
	v1 =	vimm.f32 $1.000000000e+00;
	s4 =	simm.s32 $0x2;
	s8 =	simm.s32 $0x2A00;
	s13 =	simm.s32 $0x0  }
.LBB2_1:
0x1c: {  	s14 =	rddreg [dreg:$0x6]  }
0x1d: {  	[tilespmem:s6], [sflag:$0x1] =	stream.linear.gather [hbm4b:s14+s6], $0x50, $0x38;
	[tilespmem:$0x19980] =	vst v63  }
0x1e: {  	s15 =	rddreg [dreg:$0x7]  }
0x1f: {  	[tilespmem:s25], [sflag:$0x1] =	stream.linear.gather [hbm4b:s15+s6], $0x50, $0x38;
	[tilespmem:$0x19980] =	vst v63  }
0x20: {  	s16 =	rddreg [dreg:$0x8]  }
0x21: {  	[tilespmem:s26], [sflag:$0x2] =	stream.linear.gather [hbm4b:s16+s6], $0x50, $0x38;
	[tilespmem:$0x19980] =	vst v63  }
0x22: {  	s17 =	rddreg [dreg:$0x9];
	s14 =	simm.s32 $0x0;
	s15 =	simm.s32 $0x200  }
0x23: {  	[tilespmem:s28], [sflag:$0x2] =	stream.linear.gather [hbm4b:s17+s6], $0x50, $0x38;
	[tilespmem:$0x19980] =	vst v63  }
.LBB2_2:
0x24: {  	p0 =	sne.s32 s15, $0x9E00;
	[tilespmem:s14+$0x170] =	vst v0  }
0x25: {  	[tilespmem:s14+$0x100] =	vst v0  }
0x26: {  	[tilespmem:s14+$0x110] =	vst v0  }
.Ltmp0:
0x27: {  	[tilespmem:s14+$0x120] =	vst v0;
	(pc) =	sbr.rel @p0 .LBB2_2-.Ltmp0, $4  }
0x28: {  	[tilespmem:s14+$0x130] =	vst v0  }
0x29: {  	[tilespmem:s14+$0x140] =	vst v0  }
0x2a: {  	[tilespmem:s14+$0x150] =	vst v0  }
0x2b: {  	[tilespmem:s14+$0x160] =	vst v0;
	s14 =	sshra.s32 s15, $0x2;
	s15 =	sadd.s32 $0x200, s15  }
0x2c: {  	[tilespmem:s14+$0x170] =	vst v0  }
0x2d: {  	[tilespmem:s14+$0x100] =	vst v0  }
0x2e: {  	[tilespmem:s14+$0x110] =	vst v0  }
0x2f: {  	[tilespmem:s14+$0x120] =	vst v0  }
0x30: {  	[tilespmem:s14+$0x130] =	vst v0  }
0x31: {  	[tilespmem:s14+$0x140] =	vst v0  }
0x32: {  	[tilespmem:s14+$0x150] =	vst v0  }
0x33: {  	[tilespmem:s14+$0x160] =	vst v0;
	s14 =	simm.s32 $0x40;
	s15 =	simm.s32 $0x0  }
.LBB2_4:
0x34: {  	p0 =	sne.s32 s14, $0x9C0;
	[tilespmem:s15+$0x5200] =	vst v1;
	s16 =	smov.u32 s14;
	s14 =	sadd.s32 $0x40, s14  }
.Ltmp1:
0x35: {  	[tilespmem:s15+$0x5480] =	vst v0;
	(pc) =	sbr.rel @p0 .LBB2_4-.Ltmp1, $2  }
0x36: {  	_ =	sdelay $0x2  }
0x37: {  	s15 =	sshra.s32 s16, $0x2  }
0x38: {  	[tilespmem:s15+$0x5200] =	vst v1  }
0x39: {  	[tilespmem:s15+$0x5480] =	vst v0  }
0x3a: {  	[spmem:s12] =	stream.linear.scatter [tilespmem:s29], [sflag:$0x3], $0x2800, $0x38;
	[tilespmem:$0x19980] =	vst v63  }
0x3b: {  	s14 =	rddreg [dreg:$0xa]  }
0x3c: {  	[spmem:s14] =	stream.linear.scatter [tilespmem:s29], [sflag:$0x3], $0x2800, $0x38;
	[tilespmem:$0x19980] =	vst v63  }
0x3d: {  	s15 =	rddreg [dreg:$0xb]  }
0x3e: {  	[spmem:s15] =	stream.linear.scatter [tilespmem:s29], [sflag:$0x3], $0x2800, $0x38;
	[tilespmem:$0x19980] =	vst v63  }
0x3f: {  	s16 =	rddreg [dreg:$0xc]  }
0x40: {  	[spmem:s16] =	stream.linear.scatter [tilespmem:s29], [sflag:$0x3], $0x2800, $0x38;
	[tilespmem:$0x19980] =	vst v63  }
0x41: {  	s17 =	rddreg [dreg:$0xd]  }
0x42: {  	[spmem:s17] =	stream.linear.scatter [tilespmem:s29], [sflag:$0x3], $0x2800, $0x38;
	[tilespmem:$0x19980] =	vst v63  }
0x43: {  	s15 =	rddreg [dreg:$0xe]  }
0x44: {  	[spmem:s15] =	stream.linear.scatter [tilespmem:s29], [sflag:$0x3], $0x2800, $0x38;
	[tilespmem:$0x19980] =	vst v63  }
0x45: {  	_ = 	snop  }
0x46: {  	[spmem:s19] =	stream.linear.scatter [tilespmem:s29], [sflag:$0x3], $0x2800, $0x38;
	[tilespmem:$0x19980] =	vst v63  }
0x47: {  	_ = 	snop  }
0x48: {  	[spmem:s21] =	stream.linear.scatter [tilespmem:s29], [sflag:$0x3], $0x2800, $0x38;
	[tilespmem:$0x19980] =	vst v63  }
0x49: {  	s16 =	simm.s32 $0x5480  }
0x4a: {  	[spmem:s22] =	stream.linear.scatter [tilespmem:s16], [sflag:$0x3], $0x280, $0x38;
	[tilespmem:$0x19980] =	vst v63  }
0x4b: {  	_ =	swait.ge [sflag:s31], $0x2800  }
0x4c: {  	[sflag:s31] =	ssyncset.done $0x0  }
0x4d: {  	[sflag:s31] =	ssyncadd.s32 $0xFFFFD800  }
0x4e: {  	_ =	swait.ge [sflag:s31], $0x2800  }
0x4f: {  	[sflag:s31] =	ssyncset.done $0x0  }
0x50: {  	[sflag:s31] =	ssyncadd.s32 $0xFFFFD800  }
0x51: {  	_ =	swait.ge [sflag:s31], $0x2800  }
0x52: {  	[sflag:s31] =	ssyncset.done $0x0  }
0x53: {  	[sflag:s31] =	ssyncadd.s32 $0xFFFFD800  }
0x54: {  	_ =	swait.ge [sflag:s31], $0x2800  }
0x55: {  	[sflag:s31] =	ssyncset.done $0x0  }
0x56: {  	[sflag:s31] =	ssyncadd.s32 $0xFFFFD800  }
0x57: {  	_ =	swait.ge [sflag:s31], $0x2800  }
0x58: {  	[sflag:s31] =	ssyncset.done $0x0  }
0x59: {  	[sflag:s31] =	ssyncadd.s32 $0xFFFFD800  }
0x5a: {  	_ =	swait.ge [sflag:s31], $0x2800  }
0x5b: {  	[sflag:s31] =	ssyncset.done $0x0  }
0x5c: {  	[sflag:s31] =	ssyncadd.s32 $0xFFFFD800  }
0x5d: {  	_ =	swait.ge [sflag:s31], $0x2800  }
0x5e: {  	[sflag:s31] =	ssyncset.done $0x0  }
0x5f: {  	[sflag:s31] =	ssyncadd.s32 $0xFFFFD800  }
0x60: {  	_ =	swait.ge [sflag:s31], $0x2800  }
0x61: {  	[sflag:s31] =	ssyncset.done $0x0  }
0x62: {  	[sflag:s31] =	ssyncadd.s32 $0xFFFFD800  }
0x63: {  	_ =	swait.ge [sflag:s31], $0x280  }
0x64: {  	[sflag:s31] =	ssyncset.done $0x0  }
0x65: {  	[sflag:s31] =	ssyncadd.s32 $0xFFFFFD80  }
0x66: {  	[bflag:$0x0] =	sbarrier.arrive $0xFFFF  }
0x67: {  	_ =	swait.ge [sflag:s0], $0x50  }
0x68: {  	[sflag:s0] =	ssyncset.done $0x0  }
0x69: {  	[sflag:s0] =	ssyncadd.s32 $0xFFFFFFB0  }
0x6a: {  	_ =	swait.ge [sflag:s0], $0x50  }
0x6b: {  	[sflag:s0] =	ssyncset.done $0x0  }
0x6c: {  	[sflag:s0] =	ssyncadd.s32 $0xFFFFFFB0  }
0x6d: {  	[tilespmem:s29], [sflag:$0x3] =	stream.indirect.gather [hbm4b:s1+s30], $0x80, s6, s30, $0xb8;
	[tilespmem:$0x19980] =	vst v63  }
0x6e: {  	_ =	swait.ge [sflag:s4], $0x50  }
0x6f: {  	[sflag:s4] =	ssyncset.done $0x0  }
0x70: {  	[sflag:s4] =	ssyncadd.s32 $0xFFFFFFB0  }
0x71: {  	_ =	swait.ge [sflag:s4], $0x50  }
0x72: {  	[sflag:s4] =	ssyncset.done $0x0  }
0x73: {  	[sflag:s4] =	ssyncadd.s32 $0xFFFFFFB0  }
0x74: {  	[tilespmem:s8], [sflag:$0x4] =	stream.indirect.gather [hbm4b:s1+s30], $0x80, s26, s30, $0xb8;
	[tilespmem:$0x19980] =	vst v63  }
0x75: {  	_ =	swait.ge [sflag:s31], $0x2800  }
0x76: {  	[sflag:s31] =	ssyncset.done $0x0  }
0x77: {  	[sflag:s31] =	ssyncadd.s32 $0xFFFFD800  }
0x78: {  	[spmem:s3] =	stream.indirect.scatter.add.f32 [tilespmem:s29], [sflag:$0x5], $0x80, s25, s30, $0xb8;
	[tilespmem:$0x19980] =	vst v63  }
0x79: {  	_ =	swait.ge [sflag:s9], $0x2800  }
0x7a: {  	[sflag:s9] =	ssyncset.done $0x0  }
0x7b: {  	s17 =	sadd.s32 $0xFFFFD940, s24;
	[sflag:s9] =	ssyncadd.s32 $0xFFFFD800  }
0x7c: {  	[spmem:s5] =	stream.indirect.scatter.add.f32 [tilespmem:s10], [sflag:$0x5], $0x1, s25, s30, $0xb8;
	[tilespmem:$0x19980] =	vst v63  }
0x7d: {  	s16 =	sadd.s32 $0x2760, s17;
	_ =	swait.ge [sflag:s9], $0x50  }
0x7e: {  	s15 =	sshrl.u32 s16, $0x3;
	[sflag:s9] =	ssyncset.done $0x0  }
0x7f: {  	s16 =	sadd.s32 s7, s15;
	[sflag:s9] =	ssyncadd.s32 $0xFFFFFFB0  }
0x80: {  	[tilespmem:s6], [sflag:$0x1] =	stream.linear.gather [hbm4b:s16+s6], $0x50, $0x38;
	[tilespmem:$0x19980] =	vst v63  }
0x81: {  	s15 =	sadd.s32 s2, s15  }
0x82: {  	[tilespmem:s25], [sflag:$0x1] =	stream.linear.gather [hbm4b:s15+s6], $0x50, $0x38;
	[tilespmem:$0x19980] =	vst v63  }
0x83: {  	_ =	swait.ge [sflag:s0], $0x50  }
0x84: {  	[sflag:s0] =	ssyncset.done $0x0  }
0x85: {  	[sflag:s0] =	ssyncadd.s32 $0xFFFFFFB0  }
0x86: {  	_ =	swait.ge [sflag:s0], $0x50  }
0x87: {  	[sflag:s0] =	ssyncset.done $0x0  }
0x88: {  	[sflag:s0] =	ssyncadd.s32 $0xFFFFFFB0  }
0x89: {  	[tilespmem:s29], [sflag:$0x3] =	stream.indirect.gather [hbm4b:s1+s30], $0x80, s6, s30, $0xb8;
	[tilespmem:$0x19980] =	vst v63  }
0x8a: {  	_ =	swait.ge [sflag:s11], $0x2800  }
0x8b: {  	[sflag:s11] =	ssyncset.done $0x0  }
0x8c: {  	[sflag:s11] =	ssyncadd.s32 $0xFFFFD800  }
0x8d: {  	[spmem:s3] =	stream.indirect.scatter.add.f32 [tilespmem:s8], [sflag:$0x5], $0x80, s28, s30, $0xb8;
	[tilespmem:$0x19980] =	vst v63  }
0x8e: {  	_ =	swait.ge [sflag:s9], $0x2800  }
0x8f: {  	s14 =	sadd.s32 $0x27B0, s17;
	[sflag:s9] =	ssyncset.done $0x0  }
0x90: {  	p0 =	slt.s32 s14, $0x4E1B0;
	[sflag:s9] =	ssyncadd.s32 $0xFFFFD800  }
0x91: {  	[spmem:s5] =	stream.indirect.scatter.add.f32 [tilespmem:s10], [sflag:$0x5], $0x1, s28, s30, $0xb8;
	[tilespmem:$0x19980] =	vst v63  }
0x92: {  	s14 =	simm.s32 @!p0 $0x4E1B0;
	_ =	swait.ge [sflag:s9], $0x50  }
0x93: {  	s17 =	sshrl.u32 s14, $0x3;
	[sflag:s9] =	ssyncset.done $0x0  }
0x94: {  	s14 =	sadd.s32 s7, s17;
	[sflag:s9] =	ssyncadd.s32 $0xFFFFFFB0  }
0x95: {  	[tilespmem:s26], [sflag:$0x2] =	stream.linear.gather [hbm4b:s14+s6], $0x50, $0x38;
	[tilespmem:$0x19980] =	vst v63  }
0x96: {  	s15 =	sadd.s32 s2, s17;
	s14 =	simm.s32 $0xFFFFD9E0  }
.LBB2_6:
0x97: {  	[tilespmem:s28], [sflag:$0x2] =	stream.linear.gather [hbm4b:s15+s6], $0x50, $0x38;
	[tilespmem:$0x19980] =	vst v63  }
0x98: {  	s15 =	smov.u32 s14  }
0x99: {  	p0 =	sne.s32 s14, $0xFFFFFF60;
	s14 =	sadd.s32 $0xA0, s14;
	_ =	swait.ge [sflag:s4], $0x50  }
0x9a: {  	[sflag:s4] =	ssyncset.done $0x0  }
0x9b: {  	[sflag:s4] =	ssyncadd.s32 $0xFFFFFFB0  }
0x9c: {  	_ =	swait.ge [sflag:s4], $0x50  }
0x9d: {  	[sflag:s4] =	ssyncset.done $0x0  }
0x9e: {  	[sflag:s4] =	ssyncadd.s32 $0xFFFFFFB0  }
0x9f: {  	[tilespmem:s8], [sflag:$0x4] =	stream.indirect.gather [hbm4b:s1+s30], $0x80, s26, s30, $0xb8;
	[tilespmem:$0x19980] =	vst v63  }
0xa0: {  	_ =	swait.ge [sflag:s31], $0x2800  }
0xa1: {  	[sflag:s31] =	ssyncset.done $0x0  }
0xa2: {  	[sflag:s31] =	ssyncadd.s32 $0xFFFFD800  }
0xa3: {  	[spmem:s3] =	stream.indirect.scatter.add.f32 [tilespmem:s29], [sflag:$0x5], $0x80, s25, s30, $0xb8;
	[tilespmem:$0x19980] =	vst v63  }
0xa4: {  	_ =	swait.ge [sflag:s9], $0x2800  }
0xa5: {  	[sflag:s9] =	ssyncset.done $0x0  }
0xa6: {  	s15 =	sadd.s32 s15, s24;
	[sflag:s9] =	ssyncadd.s32 $0xFFFFD800  }
0xa7: {  	[spmem:s5] =	stream.indirect.scatter.add.f32 [tilespmem:s10], [sflag:$0x5], $0x1, s25, s30, $0xb8;
	[tilespmem:$0x19980] =	vst v63  }
0xa8: {  	s16 =	sadd.s32 $0x2760, s15;
	s15 =	sadd.s32 $0x27B0, s15;
	_ =	swait.ge [sflag:s9], $0x50  }
0xa9: {  	s16 =	sshrl.u32 s16, $0x3;
	p1 =	slt.s32 s15, $0x4E1B0;
	[sflag:s9] =	ssyncset.done $0x0  }
0xaa: {  	s17 =	sadd.s32 s7, s16;
	s15 =	simm.s32 @!p1 $0x4E1B0;
	[sflag:s9] =	ssyncadd.s32 $0xFFFFFFB0  }
0xab: {  	[tilespmem:s6], [sflag:$0x1] =	stream.linear.gather [hbm4b:s17+s6], $0x50, $0x38;
	[tilespmem:$0x19980] =	vst v63  }
0xac: {  	s16 =	sadd.s32 s2, s16;
	s15 =	sshrl.u32 s15, $0x3  }
0xad: {  	[tilespmem:s25], [sflag:$0x1] =	stream.linear.gather [hbm4b:s16+s6], $0x50, $0x38;
	[tilespmem:$0x19980] =	vst v63  }
0xae: {  	_ =	swait.ge [sflag:s0], $0x50  }
0xaf: {  	[sflag:s0] =	ssyncset.done $0x0  }
0xb0: {  	[sflag:s0] =	ssyncadd.s32 $0xFFFFFFB0  }
0xb1: {  	_ =	swait.ge [sflag:s0], $0x50  }
0xb2: {  	[sflag:s0] =	ssyncset.done $0x0  }
0xb3: {  	[sflag:s0] =	ssyncadd.s32 $0xFFFFFFB0  }
0xb4: {  	[tilespmem:s29], [sflag:$0x3] =	stream.indirect.gather [hbm4b:s1+s30], $0x80, s6, s30, $0xb8;
	[tilespmem:$0x19980] =	vst v63  }
0xb5: {  	_ =	swait.ge [sflag:s11], $0x2800  }
0xb6: {  	[sflag:s11] =	ssyncset.done $0x0  }
0xb7: {  	[sflag:s11] =	ssyncadd.s32 $0xFFFFD800  }
0xb8: {  	[spmem:s3] =	stream.indirect.scatter.add.f32 [tilespmem:s8], [sflag:$0x5], $0x80, s28, s30, $0xb8;
	[tilespmem:$0x19980] =	vst v63  }
0xb9: {  	_ =	swait.ge [sflag:s9], $0x2800  }
0xba: {  	[sflag:s9] =	ssyncset.done $0x0  }
0xbb: {  	[sflag:s9] =	ssyncadd.s32 $0xFFFFD800  }
0xbc: {  	[spmem:s5] =	stream.indirect.scatter.add.f32 [tilespmem:s10], [sflag:$0x5], $0x1, s28, s30, $0xb8;
	[tilespmem:$0x19980] =	vst v63  }
.Ltmp2:
0xbd: {  	_ =	swait.ge [sflag:s9], $0x50;
	(pc) =	sbr.rel @p0 .LBB2_6-.Ltmp2, $4  }
0xbe: {  	[sflag:s9] =	ssyncset.done $0x0  }
0xbf: {  	s16 =	sadd.s32 s7, s15;
	[sflag:s9] =	ssyncadd.s32 $0xFFFFFFB0  }
0xc0: {  	[tilespmem:s26], [sflag:$0x2] =	stream.linear.gather [hbm4b:s16+s6], $0x50, $0x38;
	[tilespmem:$0x19980] =	vst v63  }
0xc1: {  	s15 =	sadd.s32 s2, s15  }
0xc2: {  	[tilespmem:s28], [sflag:$0x2] =	stream.linear.gather [hbm4b:s15+s6], $0x50, $0x38;
	[tilespmem:$0x19980] =	vst v63  }
0xc3: {  	_ =	swait.ge [sflag:s31], $0x2800  }
0xc4: {  	[sflag:s31] =	ssyncset.done $0x0  }
0xc5: {  	[sflag:s31] =	ssyncadd.s32 $0xFFFFD800  }
0xc6: {  	[spmem:s3] =	stream.indirect.scatter.add.f32 [tilespmem:s29], [sflag:$0x5], $0x80, s25, s30, $0xb8;
	[tilespmem:$0x19980] =	vst v63  }
0xc7: {  	_ =	swait.ge [sflag:s9], $0x2800  }
0xc8: {  	[sflag:s9] =	ssyncset.done $0x0  }
0xc9: {  	[sflag:s9] =	ssyncadd.s32 $0xFFFFD800  }
0xca: {  	[spmem:s5] =	stream.indirect.scatter.add.f32 [tilespmem:s10], [sflag:$0x5], $0x1, s25, s30, $0xb8;
	[tilespmem:$0x19980] =	vst v63  }
0xcb: {  	_ =	swait.ge [sflag:s9], $0x50  }
0xcc: {  	[sflag:s9] =	ssyncset.done $0x0  }
0xcd: {  	[sflag:s9] =	ssyncadd.s32 $0xFFFFFFB0  }
0xce: {  	_ =	swait.ge [sflag:s4], $0x50  }
0xcf: {  	[sflag:s4] =	ssyncset.done $0x0  }
0xd0: {  	[sflag:s4] =	ssyncadd.s32 $0xFFFFFFB0  }
0xd1: {  	_ =	swait.ge [sflag:s4], $0x50  }
0xd2: {  	s14 =	stileid.u32;
	[sflag:s4] =	ssyncset.done $0x0  }
0xd3: {  	s14 =	sshll.u32 s14, $0x6;
	[sflag:s4] =	ssyncadd.s32 $0xFFFFFFB0  }
0xd4: {  	s16 =	sshrl.u32 s12, $0x3;
	s17 =	sor.u32 $0x1C03, s14;
	[bflag:$0x0] =	sbarrier.arrive $0xFFFF  }
0xd5: {  	[hbm:s18], [sflag:s17] =	dma.local [spmem:s16], $0x2800  }
0xd6: {  	s13 =	sadd.s32 $0x1, s13;
	s14 =	sor.u32 $0x1C04, s14;
	s17 =	sshrl.u32 s22, $0x3  }
0xd7: {  	[hbm:s20], [sflag:s14] =	dma.local [spmem:s17], $0x50  }
0xd8: {  	p0 =	sne.s32 s13, s23;
	_ =	swait.ge [sflag:s31], $0x2800  }
.Ltmp3:
0xd9: {  	[sflag:s31] =	ssyncset.done $0x0;
	(pc) =	sbr.rel @p0 .LBB2_1-.Ltmp3, $4  }
0xda: {  	[sflag:s31] =	ssyncadd.s32 $0xFFFFD800  }
0xdb: {  	_ =	swait.ge [sflag:s11], $0x50  }
0xdc: {  	[sflag:s11] =	ssyncset.done $0x0  }
0xdd: {  	[sflag:s11] =	ssyncadd.s32 $0xFFFFFFB0  }
0xde: {  	_ =	sfence.sel $0x180000  }
0xdf: {  	[bflag:$0x0] =	sbarrier.arrive $0xFFFF  }
0xe0: {  	_ =	strace $0x90000047  }
0xe1: {  	s0 =	stileid.u32;
	[bflag:$0x2] =	sbarrier.arrive $0xFFFF  }
0xe2: {  	p0 =	sne.s32 s0, $0x0;
	s0 =	rddreg [dreg:$0x5]  }
0xe3: {  	s0 =	sadd.s32 @!p0 $0x100000, s0  }
0xe4: {  	[sflag:s0] =	ssyncadd.tile.s32 @!p0 $0x1;
	_ =	shalt  }
.Lfunc_end2:
_tile_overlayer_lowered:
.L_overlay_start_2:
0xe5: {  	(tag) =	ssettag $0x2  }
0xe6: {  	s0 =	rddreg [dreg:$0x0];
	s2 =	stileid.u32  }
0xe7: {  	s1 =	rddreg [dreg:$0x1];
	p0 =	sne.s32 s2, $0x0  }
0xe8: {  	s3 =	rddreg [dreg:$0x2];
	[bflag:$0x3] =	sbarrier.arrive $0xFFFF;
	s2 =	simm.s32 @!p0 $0x1C05  }
0xe9: {  	[timem:s3], [sflag:s2] =	dma.local @!p0 [hbm:s0], s1  }
0xea: {  	s0 =	simm.s32 @!p0 $0x5  }
0xeb: {  	_ =	swait.ge @!p0 [sflag:s0], s1  }
0xec: {  	s1 =	ssub.s32 @!p0 $0x0, s1;
	[sflag:s0] =	ssyncset.done @!p0 $0x0  }
0xed: {  	[sflag:s0] =	ssyncadd.s32 @!p0 s1  }
0xee: {  	[bflag:$0x3] =	sbarrier.arrive $0xFFFF  }
0xef: {  	_ =	shalt  }

</sc_bundles>
